<compile_context>
chip_gen: v7x
topology: tpu7x:2x2x1
jax: 0.10.2.dev20260603
libtpu: 0.0.44.dev20260713+nightly
codegen_flags: <defaults>
</compile_context>

<pallas_src>
import functools

import jax
import jax.numpy as jnp
from jax import lax
from jax.experimental import pallas as pl
from jax.experimental.pallas import tpu as pltpu
from jax.experimental.pallas import tpu_sc as plsc

N_EMB = 8192
DIM = 256
N_TOK = 16384
HALF = N_TOK // 2
BLK = 512
N_BLK_HALF = HALF // BLK

NC, NS = 2, 16
NW = NC * NS
B_PER_W = HALF // NW
CHUNK = 128

WINDOWS = [(0, 2816), (2816, 5632), (5632, 8192)]


def _dist_argmin_kernel(x_ref, e_ref, iota_ref, idx_ref, loss_ref, enorm_ref):
    i = pl.program_id(0)
    xb = x_ref[...]
    e = e_ref[...]

    @pl.when(i == 0)
    def _():
        enorm_ref[...] = jnp.sum(e * e, axis=0, keepdims=True)

    sim = jnp.dot(xb, e, preferred_element_type=jnp.float32)
    xnorm = jnp.sum(xb * xb, axis=1, keepdims=True)
    enorm = enorm_ref[...]
    dist = (xnorm + enorm) - 2.0 * sim
    acc_v = jnp.full((BLK,), jnp.inf, dtype=jnp.float32)
    acc_i = jnp.zeros((BLK,), dtype=jnp.float32)
    acc_d = jnp.zeros((BLK,), dtype=jnp.float32)
    for lo, hi in WINDOWS:
        sl = dist[:, lo:hi]
        wm = jnp.min(sl, axis=1)
        iota = iota_ref[:, lo:hi]
        wi = jnp.min(jnp.where(sl == wm[:, None], iota, float(N_EMB)), axis=1)
        win = wm < acc_v
        acc_i = jnp.where(win, wi, acc_i)
        acc_d = jnp.where(win, wm, acc_d)
        acc_v = jnp.where(win, wm.astype(jnp.bfloat16).astype(jnp.float32),
                          acc_v)
    idx_ref[...] = acc_i.astype(jnp.int32)[:, None]
    part = jnp.sum(acc_d).reshape(1, 1)
    loss_ref[...] = jnp.where(i == 0, part, loss_ref[...] + part)


def _indices_and_loss(flat, embeddings, iota_row):
    return pl.pallas_call(
        _dist_argmin_kernel,
        grid=(N_BLK_HALF,),
        in_specs=[
            pl.BlockSpec((BLK, DIM), lambda i: (i, 0)),
            pl.BlockSpec((DIM, N_EMB), lambda i: (0, 0)),
            pl.BlockSpec((1, N_EMB), lambda i: (0, 0)),
        ],
        out_specs=[
            pl.BlockSpec((BLK, 1), lambda i: (i, 0)),
            pl.BlockSpec((1, 1), lambda i: (0, 0)),
        ],
        out_shape=[
            jax.ShapeDtypeStruct((HALF, 1), jnp.int32),
            jax.ShapeDtypeStruct((1, 1), jnp.float32),
        ],
        scratch_shapes=[pltpu.VMEM((1, N_EMB), jnp.float32)],
    )(flat, embeddings, iota_row)


@functools.cache
def _make_sc_gather():
    @functools.partial(
        pl.kernel,
        mesh=plsc.VectorSubcoreMesh(core_axis_name="c", subcore_axis_name="s"),
        out_type=jax.ShapeDtypeStruct((HALF, DIM), jnp.float32),
        scratch_types=[
            pltpu.VMEM((B_PER_W,), jnp.int32),
            pltpu.VMEM((CHUNK, DIM), jnp.float32),
            pltpu.SemaphoreType.DMA,
        ],
    )
    def _sc_gather(table_hbm, idx_hbm, out_hbm, idx_v, rows_v, sem):
        wid = lax.axis_index("s") * NC + lax.axis_index("c")
        base = wid * B_PER_W
        pltpu.sync_copy(idx_hbm.at[pl.ds(base, B_PER_W)], idx_v)

        @pl.loop(0, B_PER_W, step=CHUNK)
        def _(c):
            pltpu.async_copy(table_hbm.at[idx_v.at[pl.ds(c, CHUNK)]],
                             rows_v, sem).wait()
            pltpu.sync_copy(rows_v, out_hbm.at[pl.ds(base + c, CHUNK)])

    return _sc_gather


def kernel(x, embeddings):
    flat = x.reshape(N_TOK, DIM)
    table = embeddings.T
    iota_row = lax.broadcasted_iota(jnp.float32, (1, N_EMB), 1)
    gather = _make_sc_gather()
    halves = []
    for h in range(2):
        idx2, loss_acc = _indices_and_loss(
            flat[h * HALF:(h + 1) * HALF], embeddings, iota_row)
        idx = idx2.reshape(HALF)
        halves.append((idx, loss_acc, gather(table, idx)))
    idx = jnp.concatenate([halves[0][0], halves[1][0]])
    quantized = jnp.concatenate([halves[0][2], halves[1][2]]).reshape(x.shape)
    loss = (1.25 / (N_TOK * DIM)) * (halves[0][1][0, 0] + halves[1][1][0, 0])
    return quantized, loss, idx

# --- scband reference (transcript-rebuilt; emitter-appended) ---
"""Pipeline reference for scband-simple-vector-quantizer-3341484556867 (READ-ONLY COPY).

The authoritative reference and input builder live on the scoring server;
editing this copy changes nothing except your own understanding.
"""

import jax, jax.numpy as jnp
import numpy as np

NUM_EMBEDDINGS = 8192
EMBEDDING_DIM = 256
BETA = 0.25


def setup_inputs(seed: int = 0) -> dict:
    key = jax.random.key(seed)
    kx, ke = jax.random.split(key)
    x = jax.random.normal(kx, (16, 1024, 256), dtype=jnp.float32)
    # nn.Parameter initialized with uniform_ in [0, 1), shape (embedding_dim, num_embeddings)
    embeddings = jax.random.uniform(ke, (EMBEDDING_DIM, NUM_EMBEDDINGS), dtype=jnp.float32)
    return {"x": x, "embeddings": embeddings}


def get_code_indices(flattened, embeddings):
    similarity = flattened @ embeddings
    distances = (jnp.sum(flattened ** 2, axis=1, keepdims=True)
                 + jnp.sum(embeddings ** 2, axis=0)
                 - 2.0 * similarity)
    return jnp.argmin(distances, axis=1)


def reference(x, embeddings):
    input_shape = x.shape
    flattened = x.reshape(-1, EMBEDDING_DIM)
    encoding_indices = get_code_indices(flattened, embeddings)
    encodings = jax.nn.one_hot(encoding_indices, NUM_EMBEDDINGS, dtype=jnp.float32)
    quantized = (encodings @ embeddings.T).reshape(input_shape)
    commitment_loss = jnp.mean((jax.lax.stop_gradient(quantized) - x) ** 2)
    codebook_loss = jnp.mean((quantized - jax.lax.stop_gradient(x)) ** 2)
    loss = BETA * commitment_loss + codebook_loss
    quantized_st = x + jax.lax.stop_gradient(quantized - x)
    return (quantized_st, loss, encoding_indices)

if __name__ == "__main__":
    import jax
    _d = setup_inputs()
    print(jax.jit(kernel)(*tuple(_d.values())))

</pallas_src>

<mosaic_0001>
#map = affine_map<(d0, d1) -> (0, 0)>
#map1 = affine_map<(d0, d1) -> (0)>
module attributes {stable_mosaic.version = 14 : i64} {
  func.func @_sc_gather(%arg0: i32, %arg1: i32, %arg2: memref<8192x256xf32, #tpu.memory_space<hbm>>, %arg3: memref<8192xi32, #tpu.memory_space<hbm>>, %arg4: memref<8192x256xf32, #tpu.memory_space<hbm>>, %arg5: memref<256xi32, #tpu.memory_space<vmem>>, %arg6: memref<128x256xf32, #tpu.memory_space<vmem>>, %arg7: memref<!tpu.dma_semaphore, #tpu.memory_space<semaphore_mem>>) attributes {dimension_semantics = [#tpu.dimension_semantics<core_parallel>, #tpu.dimension_semantics<subcore_parallel>], iteration_bounds = array<i64: 2, 16>, scalar_prefetch = 0 : i64, scratch_operands = 3 : i64, tpu.core_type = #tpu.core_type<sc_vector_subcore>, window_params = [{transform_indices = #map}, {transform_indices = #map1}, {transform_indices = #map}]} {
    %mul3A = arith.constant 2 : i32
    %mul3A_0 = arith.muli %arg1, %mul3A : i32
    %add3A = arith.addi %mul3A_0, %arg0 : i32
    %mul3A_1 = arith.constant 256 : i32
    %mul3A_2 = arith.muli %add3A, %mul3A_1 : i32
    "tpu.region"() ({
      %run_scoped3A = tpu.sem_alloc : memref<!tpu.dma_semaphore, #tpu.memory_space<semaphore_mem>>
      %dma_start3A = tpu.memref_slice %arg3[%mul3A_2] : memref<8192xi32, #tpu.memory_space<hbm>> -> memref<256xi32, #tpu.memory_space<hbm>>
      %dma_start3A_7 = tpu.memref_slice %arg3[%mul3A_2] : memref<8192xi32, #tpu.memory_space<hbm>> -> memref<256xi32, #tpu.memory_space<hbm>>
      tpu.enqueue_dma source(%dma_start3A_7 : memref<256xi32, #tpu.memory_space<hbm>>) target(%arg5 : memref<256xi32, #tpu.memory_space<vmem>>) target_semaphore(%run_scoped3A : memref<!tpu.dma_semaphore, #tpu.memory_space<semaphore_mem>>)
      %dma_wait3A = tpu.memref_slice %arg3[%mul3A_2] : memref<8192xi32, #tpu.memory_space<hbm>> -> memref<256xi32, #tpu.memory_space<hbm>>
      %dma_wait3A_8 = tpu.memref_slice %arg3[%mul3A_2] : memref<8192xi32, #tpu.memory_space<hbm>> -> memref<256xi32, #tpu.memory_space<hbm>>
      tpu.wait_dma2 semaphore(%run_scoped3A : memref<!tpu.dma_semaphore, #tpu.memory_space<semaphore_mem>>) src(%dma_wait3A_8 : memref<256xi32, #tpu.memory_space<hbm>>) dst(%arg5 : memref<256xi32, #tpu.memory_space<vmem>>)
      tpu.yield
    }) : () -> ()
    %scan3A = arith.constant 0 : i32
    %scan3A_3 = arith.constant 2 : i32
    %scan3A_4 = arith.addi %scan3A, %scan3A_3 : i32
    %scan3A_5 = arith.constant 1 : i32
    scf.for %scan3A_7 = %scan3A to %scan3A_4 step %scan3A_5  : i32 {
      %mul3A_8 = arith.constant 128 : i32
      %mul3A_9 = arith.muli %scan3A_7, %mul3A_8 : i32
      %add3A_10 = arith.constant 0 : i32
      %add3A_11 = arith.addi %add3A_10, %mul3A_9 : i32
      %dma_start3A = tpu.memref_slice %arg5[%add3A_11] : memref<256xi32, #tpu.memory_space<vmem>> -> memref<128xi32, #tpu.memory_space<vmem>>
      %dma_start3A_12 = arith.constant 0 : i32
      %dma_start3A_13 = arith.constant 0 : i32
      %dma_start3A_14 = tpu.memref_slice %arg2[%dma_start3A_12, %dma_start3A_13] : memref<8192x256xf32, #tpu.memory_space<hbm>> -> memref<8192x256xf32, #tpu.memory_space<hbm>>
      tpu.enqueue_indirect_dma source(%dma_start3A_14 : memref<8192x256xf32, #tpu.memory_space<hbm>>) target(%arg6 : memref<128x256xf32, #tpu.memory_space<vmem>>) offsets(%dma_start3A : memref<128xi32, #tpu.memory_space<vmem>>) semaphore(%arg7 : memref<!tpu.dma_semaphore, #tpu.memory_space<semaphore_mem>>)
      %dma_wait3A = tpu.memref_slice %arg5[%add3A_11] : memref<256xi32, #tpu.memory_space<vmem>> -> memref<128xi32, #tpu.memory_space<vmem>>
      %dma_wait3A_15 = arith.constant 0 : i32
      %dma_wait3A_16 = arith.constant 0 : i32
      %dma_wait3A_17 = tpu.memref_slice %arg2[%dma_wait3A_15, %dma_wait3A_16] : memref<8192x256xf32, #tpu.memory_space<hbm>> -> memref<8192x256xf32, #tpu.memory_space<hbm>>
      tpu.wait_indirect_dma semaphore(%arg7 : memref<!tpu.dma_semaphore, #tpu.memory_space<semaphore_mem>>) src(%dma_wait3A_17 : memref<8192x256xf32, #tpu.memory_space<hbm>>) dst(%arg6 : memref<128x256xf32, #tpu.memory_space<vmem>>)
      %add3A_18 = arith.addi %mul3A_2, %add3A_11 : i32
      "tpu.region"() ({
        %run_scoped3A = tpu.sem_alloc : memref<!tpu.dma_semaphore, #tpu.memory_space<semaphore_mem>>
        %dma_start3A_19 = arith.constant 0 : i32
        %dma_start3A_20 = tpu.memref_slice %arg4[%add3A_18, %dma_start3A_19] : memref<8192x256xf32, #tpu.memory_space<hbm>> -> memref<128x256xf32, #tpu.memory_space<hbm>>
        %dma_start3A_21 = arith.constant 0 : i32
        %dma_start3A_22 = tpu.memref_slice %arg4[%add3A_18, %dma_start3A_21] : memref<8192x256xf32, #tpu.memory_space<hbm>> -> memref<128x256xf32, #tpu.memory_space<hbm>>
        tpu.enqueue_dma source(%arg6 : memref<128x256xf32, #tpu.memory_space<vmem>>) target(%dma_start3A_22 : memref<128x256xf32, #tpu.memory_space<hbm>>) target_semaphore(%run_scoped3A : memref<!tpu.dma_semaphore, #tpu.memory_space<semaphore_mem>>)
        %dma_wait3A_23 = arith.constant 0 : i32
        %dma_wait3A_24 = tpu.memref_slice %arg4[%add3A_18, %dma_wait3A_23] : memref<8192x256xf32, #tpu.memory_space<hbm>> -> memref<128x256xf32, #tpu.memory_space<hbm>>
        %dma_wait3A_25 = arith.constant 0 : i32
        %dma_wait3A_26 = tpu.memref_slice %arg4[%add3A_18, %dma_wait3A_25] : memref<8192x256xf32, #tpu.memory_space<hbm>> -> memref<128x256xf32, #tpu.memory_space<hbm>>
        tpu.wait_dma2 semaphore(%run_scoped3A : memref<!tpu.dma_semaphore, #tpu.memory_space<semaphore_mem>>) src(%arg6 : memref<128x256xf32, #tpu.memory_space<vmem>>) dst(%dma_wait3A_26 : memref<128x256xf32, #tpu.memory_space<hbm>>)
        tpu.yield
      }) : () -> ()
    }
    %scan3A_6 = arith.constant 2 : i32
    return
  }
}

#map = affine_map<(d0, d1) -> (0, 0)>
#map1 = affine_map<(d0, d1) -> (0)>
module attributes {stable_mosaic.version = 14 : i64} {
  func.func @_sc_gather(%arg0: i32, %arg1: i32, %arg2: memref<8192x256xf32, #tpu.memory_space<hbm>>, %arg3: memref<8192xi32, #tpu.memory_space<hbm>>, %arg4: memref<8192x256xf32, #tpu.memory_space<hbm>>, %arg5: memref<256xi32, #tpu.memory_space<vmem>>, %arg6: memref<128x256xf32, #tpu.memory_space<vmem>>, %arg7: memref<!tpu.dma_semaphore, #tpu.memory_space<semaphore_mem>>) attributes {dimension_semantics = [#tpu.dimension_semantics<core_parallel>, #tpu.dimension_semantics<subcore_parallel>], iteration_bounds = array<i64: 2, 16>, scalar_prefetch = 0 : i64, scratch_operands = 3 : i64, tpu.core_type = #tpu.core_type<sc_vector_subcore>, window_params = [{transform_indices = #map}, {transform_indices = #map1}, {transform_indices = #map}]} {
    %mul3A = arith.constant 2 : i32
    %mul3A_0 = arith.muli %arg1, %mul3A : i32
    %add3A = arith.addi %mul3A_0, %arg0 : i32
    %mul3A_1 = arith.constant 256 : i32
    %mul3A_2 = arith.muli %add3A, %mul3A_1 : i32
    "tpu.region"() ({
      %run_scoped3A = tpu.sem_alloc : memref<!tpu.dma_semaphore, #tpu.memory_space<semaphore_mem>>
      %dma_start3A = tpu.memref_slice %arg3[%mul3A_2] : memref<8192xi32, #tpu.memory_space<hbm>> -> memref<256xi32, #tpu.memory_space<hbm>>
      %dma_start3A_7 = tpu.memref_slice %arg3[%mul3A_2] : memref<8192xi32, #tpu.memory_space<hbm>> -> memref<256xi32, #tpu.memory_space<hbm>>
      tpu.enqueue_dma source(%dma_start3A_7 : memref<256xi32, #tpu.memory_space<hbm>>) target(%arg5 : memref<256xi32, #tpu.memory_space<vmem>>) target_semaphore(%run_scoped3A : memref<!tpu.dma_semaphore, #tpu.memory_space<semaphore_mem>>)
      %dma_wait3A = tpu.memref_slice %arg3[%mul3A_2] : memref<8192xi32, #tpu.memory_space<hbm>> -> memref<256xi32, #tpu.memory_space<hbm>>
      %dma_wait3A_8 = tpu.memref_slice %arg3[%mul3A_2] : memref<8192xi32, #tpu.memory_space<hbm>> -> memref<256xi32, #tpu.memory_space<hbm>>
      tpu.wait_dma2 semaphore(%run_scoped3A : memref<!tpu.dma_semaphore, #tpu.memory_space<semaphore_mem>>) src(%dma_wait3A_8 : memref<256xi32, #tpu.memory_space<hbm>>) dst(%arg5 : memref<256xi32, #tpu.memory_space<vmem>>)
      tpu.yield
    }) : () -> ()
    %scan3A = arith.constant 0 : i32
    %scan3A_3 = arith.constant 2 : i32
    %scan3A_4 = arith.addi %scan3A, %scan3A_3 : i32
    %scan3A_5 = arith.constant 1 : i32
    scf.for %scan3A_7 = %scan3A to %scan3A_4 step %scan3A_5  : i32 {
      %mul3A_8 = arith.constant 128 : i32
      %mul3A_9 = arith.muli %scan3A_7, %mul3A_8 : i32
      %add3A_10 = arith.constant 0 : i32
      %add3A_11 = arith.addi %add3A_10, %mul3A_9 : i32
      %dma_start3A = tpu.memref_slice %arg5[%add3A_11] : memref<256xi32, #tpu.memory_space<vmem>> -> memref<128xi32, #tpu.memory_space<vmem>>
      %dma_start3A_12 = arith.constant 0 : i32
      %dma_start3A_13 = arith.constant 0 : i32
      %dma_start3A_14 = tpu.memref_slice %arg2[%dma_start3A_12, %dma_start3A_13] : memref<8192x256xf32, #tpu.memory_space<hbm>> -> memref<8192x256xf32, #tpu.memory_space<hbm>>
      tpu.enqueue_indirect_dma source(%dma_start3A_14 : memref<8192x256xf32, #tpu.memory_space<hbm>>) target(%arg6 : memref<128x256xf32, #tpu.memory_space<vmem>>) offsets(%dma_start3A : memref<128xi32, #tpu.memory_space<vmem>>) semaphore(%arg7 : memref<!tpu.dma_semaphore, #tpu.memory_space<semaphore_mem>>)
      %dma_wait3A = tpu.memref_slice %arg5[%add3A_11] : memref<256xi32, #tpu.memory_space<vmem>> -> memref<128xi32, #tpu.memory_space<vmem>>
      %dma_wait3A_15 = arith.constant 0 : i32
      %dma_wait3A_16 = arith.constant 0 : i32
      %dma_wait3A_17 = tpu.memref_slice %arg2[%dma_wait3A_15, %dma_wait3A_16] : memref<8192x256xf32, #tpu.memory_space<hbm>> -> memref<8192x256xf32, #tpu.memory_space<hbm>>
      tpu.wait_indirect_dma semaphore(%arg7 : memref<!tpu.dma_semaphore, #tpu.memory_space<semaphore_mem>>) src(%dma_wait3A_17 : memref<8192x256xf32, #tpu.memory_space<hbm>>) dst(%arg6 : memref<128x256xf32, #tpu.memory_space<vmem>>)
      %add3A_18 = arith.addi %mul3A_2, %add3A_11 : i32
      "tpu.region"() ({
        %run_scoped3A = tpu.sem_alloc : memref<!tpu.dma_semaphore, #tpu.memory_space<semaphore_mem>>
        %dma_start3A_19 = arith.constant 0 : i32
        %dma_start3A_20 = tpu.memref_slice %arg4[%add3A_18, %dma_start3A_19] : memref<8192x256xf32, #tpu.memory_space<hbm>> -> memref<128x256xf32, #tpu.memory_space<hbm>>
        %dma_start3A_21 = arith.constant 0 : i32
        %dma_start3A_22 = tpu.memref_slice %arg4[%add3A_18, %dma_start3A_21] : memref<8192x256xf32, #tpu.memory_space<hbm>> -> memref<128x256xf32, #tpu.memory_space<hbm>>
        tpu.enqueue_dma source(%arg6 : memref<128x256xf32, #tpu.memory_space<vmem>>) target(%dma_start3A_22 : memref<128x256xf32, #tpu.memory_space<hbm>>) target_semaphore(%run_scoped3A : memref<!tpu.dma_semaphore, #tpu.memory_space<semaphore_mem>>)
        %dma_wait3A_23 = arith.constant 0 : i32
        %dma_wait3A_24 = tpu.memref_slice %arg4[%add3A_18, %dma_wait3A_23] : memref<8192x256xf32, #tpu.memory_space<hbm>> -> memref<128x256xf32, #tpu.memory_space<hbm>>
        %dma_wait3A_25 = arith.constant 0 : i32
        %dma_wait3A_26 = tpu.memref_slice %arg4[%add3A_18, %dma_wait3A_25] : memref<8192x256xf32, #tpu.memory_space<hbm>> -> memref<128x256xf32, #tpu.memory_space<hbm>>
        tpu.wait_dma2 semaphore(%run_scoped3A : memref<!tpu.dma_semaphore, #tpu.memory_space<semaphore_mem>>) src(%arg6 : memref<128x256xf32, #tpu.memory_space<vmem>>) dst(%dma_wait3A_26 : memref<128x256xf32, #tpu.memory_space<hbm>>)
        tpu.yield
      }) : () -> ()
    }
    %scan3A_6 = arith.constant 2 : i32
    return
  }
}

module attributes {stable_mosaic.version = 14 : i64} {
  func.func @_dist_argmin_kernel(%arg0: i32, %arg1: memref<512x256xf32, #tpu.memory_space<vmem>>, %arg2: memref<256x8192xf32, #tpu.memory_space<vmem>>, %arg3: memref<1x8192xf32, #tpu.memory_space<vmem>>, %arg4: memref<512x1xi32, #tpu.memory_space<vmem>>, %arg5: memref<1x1xf32, #tpu.memory_space<vmem>>, %arg6: memref<1x8192xf32, #tpu.memory_space<vmem>>) attributes {dimension_semantics = [#tpu.dimension_semantics<arbitrary>], iteration_bounds = array<i64: 16>, scalar_prefetch = 0 : i64, scratch_operands = 1 : i64, tpu.core_type = #tpu.core_type<tc>, window_params = [{transform_indices = @transform_0, window_bounds = array<i64: 512, 256>}, {pipeline_mode = #tpu.pipeline_mode<synchronous>, transform_indices = @transform_1, window_bounds = array<i64: 256, 8192>}, {pipeline_mode = #tpu.pipeline_mode<synchronous>, transform_indices = @transform_2, window_bounds = array<i64: 1, 8192>}, {transform_indices = @transform_3, window_bounds = array<i64: 512, 1>}, {pipeline_mode = #tpu.pipeline_mode<synchronous>, transform_indices = @transform_4, window_bounds = array<i64: 1, 1>}]} {
    %get3A = arith.constant 0 : index
    %get3A_0 = arith.constant 0 : index
    %get3A_1 = vector.load %arg1[%get3A, %get3A_0] : memref<512x256xf32, #tpu.memory_space<vmem>>, vector<512x256xf32>
    %get3A_2 = arith.constant 0 : index
    %get3A_3 = arith.constant 0 : index
    %get3A_4 = vector.load %arg2[%get3A_2, %get3A_3] : memref<256x8192xf32, #tpu.memory_space<vmem>>, vector<256x8192xf32>
    %eq3A = arith.constant 0 : i32
    %eq3A_5 = arith.cmpi eq, %arg0, %eq3A : i32
    %convert_element_type3A = arith.extui %eq3A_5 : i1 to i32
    %cond3A = arith.constant 0 : i32
    %cond3A_6 = arith.cmpi ne, %convert_element_type3A, %cond3A : i32
    scf.if %cond3A_6 {
      %mul3A_100 = arith.mulf %get3A_4, %get3A_4 : vector<256x8192xf32>
      %reduce_sum3A_101 = arith.constant dense<0.000000e+00> : vector<8192xf32>
      %reduce_sum3A_102 = vector.multi_reduction <add>, %mul3A_100, %reduce_sum3A_101 [0] : vector<256x8192xf32> to vector<8192xf32>
      %broadcast_in_dim3A_103 = vector.shape_cast %reduce_sum3A_102 : vector<8192xf32> to vector<1x8192xf32>
      %swap3A_104 = arith.constant 0 : index
      %swap3A_105 = arith.constant 0 : index
      %swap3A_106 = vector.load %arg6[%swap3A_104, %swap3A_105] : memref<1x8192xf32, #tpu.memory_space<vmem>>, vector<1x8192xf32>
      tpu.vector_store %arg6[%swap3A_104, %swap3A_105], %broadcast_in_dim3A_103 {strides = array<i32>} : memref<1x8192xf32, #tpu.memory_space<vmem>>, vector<1x8192xf32>,
    } else {
    }
    %dot_general3A = arith.constant dense<0.000000e+00> : vector<512x8192xf32>
    %dot_general3A_7 = tpu.matmul %get3A_1, %get3A_4, %dot_general3A {dimension_numbers = #tpu.dot_dimension_numbers<[1], [0], [0], [1], [0, 0, 1, 1], [], []>, transpose_lhs_hint = false} : vector<512x256xf32>, vector<256x8192xf32>, vector<512x8192xf32> -> vector<512x8192xf32>
    %mul3A = arith.mulf %get3A_1, %get3A_1 : vector<512x256xf32>
    %reduce_sum3A = arith.constant dense<0.000000e+00> : vector<512xf32>
    %reduce_sum3A_8 = vector.multi_reduction <add>, %mul3A, %reduce_sum3A [1] : vector<512x256xf32> to vector<512xf32>
    %broadcast_in_dim3A = vector.shape_cast %reduce_sum3A_8 : vector<512xf32> to vector<512x1xf32>
    %get3A_9 = arith.constant 0 : index
    %get3A_10 = arith.constant 0 : index
    %get3A_11 = vector.load %arg6[%get3A_9, %get3A_10] : memref<1x8192xf32, #tpu.memory_space<vmem>>, vector<1x8192xf32>
    %add3A = vector.broadcast %broadcast_in_dim3A : vector<512x1xf32> to vector<512x8192xf32>
    %add3A_12 = vector.broadcast %get3A_11 : vector<1x8192xf32> to vector<512x8192xf32>
    %add3A_13 = arith.addf %add3A, %add3A_12 : vector<512x8192xf32>
    %mul3A_14 = arith.constant 2.000000e+00 : f32
    %mul3A_15 = vector.broadcast %mul3A_14 : f32 to vector<512x8192xf32>
    %mul3A_16 = arith.mulf %mul3A_15, %dot_general3A_7 : vector<512x8192xf32>
    %sub3A = arith.subf %add3A_13, %mul3A_16 : vector<512x8192xf32>
    %broadcast_in_dim3A_17 = arith.constant 0x7F800000 : f32
    %broadcast_in_dim3A_18 = vector.broadcast %broadcast_in_dim3A_17 : f32 to vector<512xf32>
    %broadcast_in_dim3A_19 = arith.constant 0.000000e+00 : f32
    %broadcast_in_dim3A_20 = vector.broadcast %broadcast_in_dim3A_19 : f32 to vector<512xf32>
    %broadcast_in_dim3A_21 = arith.constant 0.000000e+00 : f32
    %broadcast_in_dim3A_22 = vector.broadcast %broadcast_in_dim3A_21 : f32 to vector<512xf32>
    %slice3A = vector.extract_strided_slice %sub3A {offsets = [0, 0], sizes = [512, 2816], strides = [1, 1]} : vector<512x8192xf32> to vector<512x2816xf32>
    %reduce_min3A = arith.constant dense<0x7F800000> : vector<512xf32>
    %reduce_min3A_23 = vector.multi_reduction <minimumf>, %slice3A, %reduce_min3A [1] : vector<512x2816xf32> to vector<512xf32>
    %get3A_24 = arith.constant 0 : index
    %get3A_25 = arith.constant 0 : index
    %get3A_26 = vector.load %arg3[%get3A_24, %get3A_25] : memref<1x8192xf32, #tpu.memory_space<vmem>>, vector<1x2816xf32>
    %broadcast_in_dim3A_27 = vector.shape_cast %reduce_min3A_23 : vector<512xf32> to vector<512x1xf32>
    %eq3A_28 = vector.broadcast %broadcast_in_dim3A_27 : vector<512x1xf32> to vector<512x2816xf32>
    %eq3A_29 = arith.cmpf oeq, %slice3A, %eq3A_28 : vector<512x2816xf32>
    %jit3A = arith.constant 8.192000e+03 : f32
    %broadcast_in_dim3A_30 = vector.shape_cast %get3A_26 : vector<1x2816xf32> to vector<1x2816xf32>
    %broadcast_in_dim3A_31 = vector.broadcast %broadcast_in_dim3A_30 : vector<1x2816xf32> to vector<512x2816xf32>
    %broadcast_in_dim3A_32 = vector.broadcast %jit3A : f32 to vector<512x2816xf32>
    %select_n3A = arith.select %eq3A_29, %broadcast_in_dim3A_31, %broadcast_in_dim3A_32 : vector<512x2816xi1>, vector<512x2816xf32>
    %reduce_min3A_33 = arith.constant dense<0x7F800000> : vector<512xf32>
    %reduce_min3A_34 = vector.multi_reduction <minimumf>, %select_n3A, %reduce_min3A_33 [1] : vector<512x2816xf32> to vector<512xf32>
    %lt3A = arith.cmpf olt, %reduce_min3A_23, %broadcast_in_dim3A_18 : vector<512xf32>
    %select_n3A_35 = arith.select %lt3A, %reduce_min3A_34, %broadcast_in_dim3A_20 : vector<512xi1>, vector<512xf32>
    %select_n3A_36 = arith.select %lt3A, %reduce_min3A_23, %broadcast_in_dim3A_22 : vector<512xi1>, vector<512xf32>
    %convert_element_type3A_37 = arith.truncf %reduce_min3A_23 : vector<512xf32> to vector<512xbf16>
    %convert_element_type3A_38 = arith.extf %convert_element_type3A_37 : vector<512xbf16> to vector<512xf32>
    %select_n3A_39 = arith.select %lt3A, %convert_element_type3A_38, %broadcast_in_dim3A_18 : vector<512xi1>, vector<512xf32>
    %slice3A_40 = vector.extract_strided_slice %sub3A {offsets = [0, 2816], sizes = [512, 2816], strides = [1, 1]} : vector<512x8192xf32> to vector<512x2816xf32>
    %reduce_min3A_41 = arith.constant dense<0x7F800000> : vector<512xf32>
    %reduce_min3A_42 = vector.multi_reduction <minimumf>, %slice3A_40, %reduce_min3A_41 [1] : vector<512x2816xf32> to vector<512xf32>
    %get3A_43 = arith.constant 0 : index
    %get3A_44 = arith.constant 2816 : index
    %get3A_45 = vector.load %arg3[%get3A_43, %get3A_44] : memref<1x8192xf32, #tpu.memory_space<vmem>>, vector<1x2816xf32>
    %broadcast_in_dim3A_46 = vector.shape_cast %reduce_min3A_42 : vector<512xf32> to vector<512x1xf32>
    %eq3A_47 = vector.broadcast %broadcast_in_dim3A_46 : vector<512x1xf32> to vector<512x2816xf32>
    %eq3A_48 = arith.cmpf oeq, %slice3A_40, %eq3A_47 : vector<512x2816xf32>
    %jit3A_49 = arith.constant 8.192000e+03 : f32
    %broadcast_in_dim3A_50 = vector.shape_cast %get3A_45 : vector<1x2816xf32> to vector<1x2816xf32>
    %broadcast_in_dim3A_51 = vector.broadcast %broadcast_in_dim3A_50 : vector<1x2816xf32> to vector<512x2816xf32>
    %broadcast_in_dim3A_52 = vector.broadcast %jit3A_49 : f32 to vector<512x2816xf32>
    %select_n3A_53 = arith.select %eq3A_48, %broadcast_in_dim3A_51, %broadcast_in_dim3A_52 : vector<512x2816xi1>, vector<512x2816xf32>
    %reduce_min3A_54 = arith.constant dense<0x7F800000> : vector<512xf32>
    %reduce_min3A_55 = vector.multi_reduction <minimumf>, %select_n3A_53, %reduce_min3A_54 [1] : vector<512x2816xf32> to vector<512xf32>
    %lt3A_56 = arith.cmpf olt, %reduce_min3A_42, %select_n3A_39 : vector<512xf32>
    %select_n3A_57 = arith.select %lt3A_56, %reduce_min3A_55, %select_n3A_35 : vector<512xi1>, vector<512xf32>
    %select_n3A_58 = arith.select %lt3A_56, %reduce_min3A_42, %select_n3A_36 : vector<512xi1>, vector<512xf32>
    %convert_element_type3A_59 = arith.truncf %reduce_min3A_42 : vector<512xf32> to vector<512xbf16>
    %convert_element_type3A_60 = arith.extf %convert_element_type3A_59 : vector<512xbf16> to vector<512xf32>
    %select_n3A_61 = arith.select %lt3A_56, %convert_element_type3A_60, %select_n3A_39 : vector<512xi1>, vector<512xf32>
    %slice3A_62 = vector.extract_strided_slice %sub3A {offsets = [0, 5632], sizes = [512, 2560], strides = [1, 1]} : vector<512x8192xf32> to vector<512x2560xf32>
    %reduce_min3A_63 = arith.constant dense<0x7F800000> : vector<512xf32>
    %reduce_min3A_64 = vector.multi_reduction <minimumf>, %slice3A_62, %reduce_min3A_63 [1] : vector<512x2560xf32> to vector<512xf32>
    %get3A_65 = arith.constant 0 : index
    %get3A_66 = arith.constant 5632 : index
    %get3A_67 = vector.load %arg3[%get3A_65, %get3A_66] : memref<1x8192xf32, #tpu.memory_space<vmem>>, vector<1x2560xf32>
    %broadcast_in_dim3A_68 = vector.shape_cast %reduce_min3A_64 : vector<512xf32> to vector<512x1xf32>
    %eq3A_69 = vector.broadcast %broadcast_in_dim3A_68 : vector<512x1xf32> to vector<512x2560xf32>
    %eq3A_70 = arith.cmpf oeq, %slice3A_62, %eq3A_69 : vector<512x2560xf32>
    %jit3A_71 = arith.constant 8.192000e+03 : f32
    %broadcast_in_dim3A_72 = vector.shape_cast %get3A_67 : vector<1x2560xf32> to vector<1x2560xf32>
    %broadcast_in_dim3A_73 = vector.broadcast %broadcast_in_dim3A_72 : vector<1x2560xf32> to vector<512x2560xf32>
    %broadcast_in_dim3A_74 = vector.broadcast %jit3A_71 : f32 to vector<512x2560xf32>
    %select_n3A_75 = arith.select %eq3A_70, %broadcast_in_dim3A_73, %broadcast_in_dim3A_74 : vector<512x2560xi1>, vector<512x2560xf32>
    %reduce_min3A_76 = arith.constant dense<0x7F800000> : vector<512xf32>
    %reduce_min3A_77 = vector.multi_reduction <minimumf>, %select_n3A_75, %reduce_min3A_76 [1] : vector<512x2560xf32> to vector<512xf32>
    %lt3A_78 = arith.cmpf olt, %reduce_min3A_64, %select_n3A_61 : vector<512xf32>
    %select_n3A_79 = arith.select %lt3A_78, %reduce_min3A_77, %select_n3A_57 : vector<512xi1>, vector<512xf32>
    %select_n3A_80 = arith.select %lt3A_78, %reduce_min3A_64, %select_n3A_58 : vector<512xi1>, vector<512xf32>
    %convert_element_type3A_81 = arith.fptosi %select_n3A_79 : vector<512xf32> to vector<512xi32>
    %broadcast_in_dim3A_82 = vector.shape_cast %convert_element_type3A_81 : vector<512xi32> to vector<512x1xi32>
    %swap3A = arith.constant 0 : index
    %swap3A_83 = arith.constant 0 : index
    %swap3A_84 = vector.load %arg4[%swap3A, %swap3A_83] : memref<512x1xi32, #tpu.memory_space<vmem>>, vector<512x1xi32>
    tpu.vector_store %arg4[%swap3A, %swap3A_83], %broadcast_in_dim3A_82 {strides = array<i32>} : memref<512x1xi32, #tpu.memory_space<vmem>>, vector<512x1xi32>,
    %reduce_sum3A_85 = vector.shape_cast %select_n3A_80 : vector<512xf32> to vector<1x512xf32>
    %reduce_sum3A_86 = arith.constant dense<0.000000e+00> : vector<1xf32>
    %reduce_sum3A_87 = vector.multi_reduction <add>, %reduce_sum3A_85, %reduce_sum3A_86 [1] : vector<1x512xf32> to vector<1xf32>
    %reduce_sum3A_88 = vector.shape_cast %reduce_sum3A_87 : vector<1xf32> to vector<1x1xf32>
    %reduce_sum3A_89 = vector.extract %reduce_sum3A_88[0, 0] : f32 from vector<1x1xf32>
    %reshape3A = vector.broadcast %reduce_sum3A_89 : f32 to vector<1x1xf32>
    %eq3A_90 = arith.constant 0 : i32
    %eq3A_91 = arith.cmpi eq, %arg0, %eq3A_90 : i32
    %get3A_92 = arith.constant 0 : index
    %get3A_93 = arith.constant 0 : index
    %get3A_94 = vector.load %arg5[%get3A_92, %get3A_93] : memref<1x1xf32, #tpu.memory_space<vmem>>, vector<1x1xf32>
    %add3A_95 = arith.addf %get3A_94, %reshape3A : vector<1x1xf32>
    %select_n3A_96 = arith.select %eq3A_91, %reshape3A, %add3A_95 : vector<1x1xf32>
    %swap3A_97 = arith.constant 0 : index
    %swap3A_98 = arith.constant 0 : index
    %swap3A_99 = vector.load %arg5[%swap3A_97, %swap3A_98] : memref<1x1xf32, #tpu.memory_space<vmem>>, vector<1x1xf32>
    tpu.vector_store %arg5[%swap3A_97, %swap3A_98], %select_n3A_96 {strides = array<i32>} : memref<1x1xf32, #tpu.memory_space<vmem>>, vector<1x1xf32>,
    return
  }
  func.func @transform_0(%arg0: i32) -> (i32, i32) {
    %c0_i32 = arith.constant 0 : i32
    %c0_i32_0 = arith.constant 0 : i32
    return %arg0, %c0_i32 : i32, i32
  }
  func.func @transform_1(%arg0: i32) -> (i32, i32) {
    %c0_i32 = arith.constant 0 : i32
    %c0_i32_0 = arith.constant 0 : i32
    %c0_i32_1 = arith.constant 0 : i32
    return %c0_i32, %c0_i32_0 : i32, i32
  }
  func.func @transform_2(%arg0: i32) -> (i32, i32) {
    %c0_i32 = arith.constant 0 : i32
    %c0_i32_0 = arith.constant 0 : i32
    %c0_i32_1 = arith.constant 0 : i32
    return %c0_i32, %c0_i32_0 : i32, i32
  }
  func.func @transform_3(%arg0: i32) -> (i32, i32) {
    %c0_i32 = arith.constant 0 : i32
    %c0_i32_0 = arith.constant 0 : i32
    return %arg0, %c0_i32 : i32, i32
  }
  func.func @transform_4(%arg0: i32) -> (i32, i32) {
    %c0_i32 = arith.constant 0 : i32
    %c0_i32_0 = arith.constant 0 : i32
    %c0_i32_1 = arith.constant 0 : i32
    return %c0_i32, %c0_i32_0 : i32, i32
  }
}

</mosaic_0001>

<sc_bundles>
// kernel: kernel.6.cloned.1.call-start
scs
__scs_entry_jumppad:
0x0: {  	(pc) =	sbr.rel $0x88, $3  }
0x1: {  	(tag) =	ssettag $0x0;
	lr =	simm.s32 $0x1  }
0x2: {  	[smem:$0x3F9F] =	sst lr;
	_ =	strace $0xD0000000  }
0x3: {  	_ = 	snop  }
0x4: {  	_ = 	snop  }
0x5: {  	_ = 	snop  }
0x6: {  	_ = 	snop  }
0x7: {  	_ = 	snop  }
__scs_overlays_trampoline_lowered:
0x8: {  	[smem:$0x3FAE] =	sst s0  }
0x9: {  	[smem:$0x3FAF] =	sst s1  }
0xa: {  	[smem:$0x3FB0] =	sst s2  }
0xb: {  	[smem:$0x3FB1] =	sst s3  }
0xc: {  	[smem:$0x3FB2] =	sst s4  }
0xd: {  	[smem:$0x3FB3] =	sst s5  }
0xe: {  	[smem:$0x3FB4] =	sst s6  }
0xf: {  	[smem:$0x3FB5] =	sst s7  }
0x10: {  	[smem:$0x3FB6] =	sst s8  }
0x11: {  	[smem:$0x3FB7] =	sst s9;
	s0 =	simm.s32 @!p0 $0x0  }
0x12: {  	s1 =	sld [smem:$0x3F9D];
	s0 =	simm.s32 @p0 $0x1  }
0x13: {  	[smem:$0x3FB8] =	sst s0;
	s0 =	simm.s32 @!p1 $0x0  }
0x14: {  	s2 =	sld [smem:$0x3F9C];
	s0 =	simm.s32 @p1 $0x1  }
0x15: {  	[smem:$0x3FB9] =	sst s0;
	s0 =	simm.s32 @!p2 $0x0  }
0x16: {  	s3 =	sld [smem:$0x3FDB];
	s0 =	simm.s32 @p2 $0x1  }
0x17: {  	s4 =	simm.s32 $0x1BF5;
	[smem:$0x3FBB] =	sst s0  }
0x18: {  	s0 =	sld [smem:$0x3F9E];
	_ =	swait.ge [sflag:s4], $0x0  }
0x19: {  	s7 =	sld [smem:$0x3F9F]  }
0x1a: {  	s8 =	sadd.s32 $0xFFFFE003, lr  }
0x1b: {  	s9 =	sadd.s32 $0xFFFFFEF7, lr;
	s5 =	simm.s32 $0xFFFFFFFF;
	p2 =	slt.u32 s8, $0xFFFFF086  }
0x1c: {  	p1 =	slt.u32 s9, $0xF7A;
	s5 =	simm.s32 @!p2 $0x0  }
0x1d: {  	s5 =	simm.s32 @p1 $0x1;
	p0 =	seq.s32 s7, s2  }
0x1e: {  	s7 =	smul.u32 @!p0 $0xF7A, s2;
	p2 =	seq.s32 @!p0 s5, $0x0  }
0x1f: {  	s9 =	smul.u32 $0xF7A, s1;
	s8 =	simm.s32 @!p0 $0x1BF5;
	p2 =	por !p2, p0  }
0x20: {  	[sflag:s8] =	ssyncset.s32 @!p0 $0xFFFFF086;
	s6 =	sadd.s32 @!p0 s3, s7;
	s7 =	simm.s32 @!p0 $0x108  }
0x21: {  	s3 =	sadd.s32 s3, s9;
	s6 =	sadd.s32 @!p0 $0x88, s6;
	s7 =	simm.s32 @p2 $0x1082  }
0x22: {  	[simem:s7], [sflag:s8] =	dma.local @!p0 [hbm:s6], $0xF7A  }
0x23: {  	s9 =	sor.u32 $0xD0000000, s2;
	s6 =	simm.s32 $0x108;
	_ =	swait.ge @!p0 [sflag:s8], $0x0  }
0x24: {  	s3 =	sadd.s32 $0x88, s3;
	s6 =	simm.s32 @!p1 $0x1082;
	[sflag:s4] =	ssyncset.s32 $0xFFFFF086  }
0x25: {  	[simem:s6], [sflag:s4] =	dma.local [hbm:s3], $0xF7A  }
0x26: {  	[smem:$0x3F9F] =	sst s1;
	(tag) =	ssettag s2;
	_ =	strace s9  }
0x27: {  	s1 =	sld [smem:$0x3FAF]  }
0x28: {  	s2 =	sld [smem:$0x3FB0]  }
0x29: {  	s4 =	sld [smem:$0x3FB2]  }
0x2a: {  	p0 =	seq.s32 s5, $0x0;
	s5 =	sld [smem:$0x3FB3]  }
0x2b: {  	s6 =	sld [smem:$0x3FB4]  }
0x2c: {  	s7 =	sld [smem:$0x3FB5]  }
0x2d: {  	s3 =	simm.s32 $0x108;
	s8 =	sld [smem:$0x3FB6]  }
0x2e: {  	s3 =	simm.s32 @!p0 $0x1082;
	s9 =	sld [smem:$0x3FB7]  }
0x2f: {  	lr =	sadd.s32 s0, s3;
	s0 =	sld [smem:$0x3FAE]  }
0x30: {  	s3 =	sld [smem:$0x3FB1]  }
0x31: {  	[smem:$0x3FBA] =	sst s10  }
0x32: {  	s10 =	sld [smem:$0x3FB8];
	_ =	sdelay $0x3  }
0x33: {  	p0 =	seq.s32 s10, $0x1;
	s10 =	sld [smem:$0x3FBA];
	_ =	sdelay $0x3  }
0x34: {  	[smem:$0x3FBA] =	sst s10  }
0x35: {  	s10 =	sld [smem:$0x3FB9];
	_ =	sdelay $0x3  }
0x36: {  	p1 =	seq.s32 s10, $0x1;
	s10 =	sld [smem:$0x3FBA];
	_ =	sdelay $0x3  }
0x37: {  	[smem:$0x3FBA] =	sst s10  }
0x38: {  	s10 =	sld [smem:$0x3FBB]  }
0x39: {  	_ = 	snop;
	(pc) =	sbr.ind lr, $3  }
0x3a: {  	_ = 	snop  }
0x3b: {  	_ = 	snop  }
0x3c: {  	p2 =	seq.s32 s10, $0x1;
	s10 =	sld [smem:$0x3FBA]  }
0x3d: {  	_ =	shalt  }
0x3e: {  	_ =	shalt  }
0x3f: {  	_ =	shalt  }
0x40: {  	_ =	shalt  }
0x41: {  	_ =	shalt  }
0x42: {  	_ =	shalt  }
0x43: {  	_ =	shalt  }
0x44: {  	_ =	shalt  }
0x45: {  	_ =	shalt  }
0x46: {  	_ =	shalt  }
0x47: {  	_ =	shalt  }
0x48: {  	_ =	shalt  }
0x49: {  	_ =	shalt  }
0x4a: {  	_ =	shalt  }
0x4b: {  	_ =	shalt  }
0x4c: {  	_ =	shalt  }
0x4d: {  	_ =	shalt  }
0x4e: {  	_ =	shalt  }
0x4f: {  	_ =	shalt  }
0x50: {  	_ =	shalt  }
0x51: {  	_ =	shalt  }
0x52: {  	_ =	shalt  }
0x53: {  	_ =	shalt  }
0x54: {  	_ =	shalt  }
0x55: {  	_ =	shalt  }
0x56: {  	_ =	shalt  }
0x57: {  	_ =	shalt  }
0x58: {  	_ =	shalt  }
0x59: {  	_ =	shalt  }
0x5a: {  	_ =	shalt  }
0x5b: {  	_ =	shalt  }
0x5c: {  	_ =	shalt  }
0x5d: {  	_ =	shalt  }
0x5e: {  	_ =	shalt  }
0x5f: {  	_ =	shalt  }
0x60: {  	_ =	shalt  }
0x61: {  	_ =	shalt  }
0x62: {  	_ =	shalt  }
0x63: {  	_ =	shalt  }
0x64: {  	_ =	shalt  }
0x65: {  	_ =	shalt  }
0x66: {  	_ =	shalt  }
0x67: {  	_ =	shalt  }
0x68: {  	_ =	shalt  }
0x69: {  	_ =	shalt  }
0x6a: {  	_ =	shalt  }
0x6b: {  	_ =	shalt  }
0x6c: {  	_ =	shalt  }
0x6d: {  	_ =	shalt  }
0x6e: {  	_ =	shalt  }
0x6f: {  	_ =	shalt  }
0x70: {  	_ =	shalt  }
0x71: {  	_ =	shalt  }
0x72: {  	_ =	shalt  }
0x73: {  	_ =	shalt  }
0x74: {  	_ =	shalt  }
0x75: {  	_ =	shalt  }
0x76: {  	_ =	shalt  }
0x77: {  	_ =	shalt  }
0x78: {  	_ =	shalt  }
0x79: {  	_ =	shalt  }
0x7a: {  	_ =	shalt  }
0x7b: {  	_ =	shalt  }
0x7c: {  	_ =	shalt  }
0x7d: {  	_ =	shalt  }
0x7e: {  	_ =	shalt  }
0x7f: {  	_ =	shalt  }
0x80: {  	_ =	shalt  }
0x81: {  	_ =	shalt  }
0x82: {  	_ =	shalt  }
0x83: {  	_ =	shalt  }
0x84: {  	_ =	shalt  }
0x85: {  	_ =	shalt  }
0x86: {  	_ =	shalt  }
0x87: {  	_ =	shalt  }
.Lfunc_end0:
.L_simem_size_0:
called_computation_lowered:
.L_overlay_start_0:
0x88: {  	s2 =	sld [smem:$0x3FD9]  }
0x89: {  	s3 =	sld [smem:$0x3FFE];
	_ =	sdelay $0x1  }
0x8a: {  	s1 =	srdreg.scid  }
0x8b: {  	s0 =	sand.u32 $0x1, s1  }
0x8c: {  	s15 =	sshll.u32 s0, $0xA;
	s2 =	sadd.s32 s3, s2  }
0x8d: {  	s2 =	sadd.s32 s2, s15  }
0x8e: {  	[smem:$0x3FC6] =	sst s2  }
0x8f: {  	_ = 	snop  }
0x90: {  	s2 =	sld [smem:$0x3FD0];
	_ =	sdelay $0x2  }
0x91: {  	s16 =	simm.s32 $0xB;
	s4 =	simm.s32 $0x10  }
0x92: {  	[smem:s4], [sflag:s16] =	dma.local [hbm:s2], $0x1  }
0x93: {  	_ =	swait.eq [sflag:s16], $0x1  }
0x94: {  	[sflag:s16] =	ssyncset.done $0x0  }
0x95: {  	[sflag:s16] =	ssyncadd.s32 $0xFFFFFFFF  }
0x96: {  	s17 =	sld [smem:$0x10];
	(tm) =	ssettm $0x1  }
0x97: {  	s18 =	sld [smem:$0x3FFB];
	_ =	sdelay $0x3  }
0x98: {  	_ =	strace s18  }
0x99: {  	s2 =	sld [smem:$0x3FFC];
	_ =	sdelay $0x3  }
0x9a: {  	_ =	strace s2  }
0x9b: {  	s2 =	sld [smem:$0x3FFD];
	_ =	sdelay $0x3  }
0x9c: {  	_ =	strace s2  }
0x9d: {  	_ =	strace $0x8FFFFFFF  }
0x9e: {  	s19 =	sld [smem:$0x3FDB];
	_ =	sdelay $0x1  }
0x9f: {  	s20 =	simm.s32 $_scs_section_size  }
0xa0: {  	s5 =	simm.s32 $_size__tile_overlayer_lowered;
	s6 =	simm.s32 $_tile_overlayer_lowered  }
0xa1: {  	s7 =	simm.s32 $0x1BFF;
	s21 =	sshll.u32 s6, $0x1;
	s4 =	sadd.s32 s20, s19  }
0xa2: {  	s22 =	simm.s32 $0x0;
	s5 =	sshll.u32 s5, $0x1;
	s6 =	sadd.s32 s21, s4  }
0xa3: {  	[timem:s22], [sflag:s7] =	dma.local [hbm:s6], s5  }
0xa4: {  	_ =	swait.ge [sflag:s7], s5  }
0xa5: {  	s5 =	ssub.s32 $0x0, s5;
	[sflag:s7] =	ssyncset.done $0x0  }
0xa6: {  	[sflag:s7] =	ssyncadd.s32 s5;
	_ =	sdelay $0x1  }
0xa7: {  	s23 =	simm.s32 $0x1B8B  }
0xa8: {  	_ =	swait.ge [sflag:s23], $0x1  }
0xa9: {  	[sflag:s23] =	ssyncset.done $0x0  }
0xaa: {  	[sflag:s23] =	ssyncadd.s32 $0xFFFFFFFF  }
0xab: {  	s5 =	sld [smem:$0x0]  }
0xac: {  	s6 =	sand.u32 $0xFFFFFFFE, s1  }
0xad: {  	p0 =	sne.s32 s1, s6  }
0xae: {  	s6 =	sshll.u32 @p0 s6, $0xE  }
0xaf: {  	s6 =	sadd.s32 @p0 $0x11B8D, s6;
	s7 =	sshll.u32 @p0 s5, $0x11  }
0xb0: {  	s6 =	sor.u32 @p0 s7, s6  }
0xb1: {  	[sflag:s6] =	ssyncadd.remote.s32 @p0 $0x1;
	_ =	sdelay $0x1  }
0xb2: {  	s6 =	simm.s32 @p0 $0x1B8D  }
0xb3: {  	_ =	swait.eq @p0 [sflag:s6], $0x1  }
0xb4: {  	[sflag:s6] =	ssyncadd.s32 @p0 $0xFFFFFFFF  }
0xb5: {  	s7 =	sshll.u32 @!p0 s1, $0xE  }
0xb6: {  	s7 =	sor.u32 @!p0 $0x4000, s7;
	s6 =	simm.s32 @!p0 $0x1B8D  }
0xb7: {  	s5 =	sshll.u32 @!p0 s5, $0x11;
	s7 =	sadd.s32 @!p0 $0x11B8D, s7;
	_ =	swait.eq @!p0 [sflag:s6], $0x1  }
0xb8: {  	s5 =	sor.u32 @!p0 s5, s7;
	[sflag:s6] =	ssyncadd.s32 @!p0 $0xFFFFFFFF  }
0xb9: {  	s25 =	simm.s32 $0x1B8E;
	s24 =	sld [smem:$0x3FFE];
	[sflag:s5] =	ssyncadd.remote.s32 @!p0 $0x1  }
0xba: {  	s26 =	simm.s32 $execute0_lowered;
	[smem:$0x3FD2] =	sst s25  }
0xbb: {  	s6 =	sshll.u32 s26, $0x1;
	_ =	strace $0x80000049;
	[dreg:$0x1] =	wrdreg $0xFFFFFFFF  }
0xbc: {  	s28 =	simm.s32 $_size_execute0_lowered;
	s4 =	sadd.s32 s4, s6;
	[dreg:$0x0] =	wrdreg $0x0  }
0xbd: {  	s6 =	sshll.u32 s28, $0x1;
	[dreg:$0x2] =	wrdreg s4  }
0xbe: {  	[dreg:$0x3] =	wrdreg s6  }
0xbf: {  	[dreg:$0x4] =	wrdreg $0xC0  }
0xc0: {  	_ =	task [dreg:s22], $0x5FFFF  }
0xc1: {  	[dreg:$0x1] =	wrdreg $0xFFFFFFFF  }
0xc2: {  	[dreg:$0x0] =	wrdreg $0x60  }
0xc3: {  	[dreg:$0x2] =	wrdreg s17  }
0xc4: {  	[dreg:$0x3] =	wrdreg s24  }
0xc5: {  	[dreg:$0x4] =	wrdreg $0x9  }
0xc6: {  	_ =	task.clear_ibuf [dreg:s22], $0x5FFFF;
	_ =	strace $0x90000049  }
0xc7: {  	s29 =	simm.s32 $0x9;
	_ =	strace $0x8000004B  }
0xc8: {  	_ =	swait.ge [sflag:s29], $0x1  }
0xc9: {  	[sflag:s29] =	ssyncadd.s32 $0xFFFFFFFF  }
0xca: {  	_ =	strace $0x9000004B  }
0xcb: {  	_ =	sfence  }
0xcc: {  	s30 =	sld [smem:$0x0];
	_ =	sdelay $0x2  }
0xcd: {  	s31 =	sshll.u32 s1, $0xD;
	s1 =	sshrl.u32 s1, $0x2  }
0xce: {  	s4 =	sand.u32 $0x4000, s31;
	s1 =	sadd.s32 s1, s30  }
0xcf: {  	s0 =	sor.u32 s4, s0;
	s1 =	sshll.u32 s1, $0x11  }
0xd0: {  	s0 =	sor.u32 s1, s0  }
0xd1: {  	s0 =	sadd.s32 $0x8F2B, s0  }
0xd2: {  	[sflag:s0] =	ssyncadd.remote.s32 $0x1  }
0xd3: {  	_ =	sfence.sel $0xFFFF  }
0xd4: {  	[dreg:$0x0] =	wrdreg $0xFFFFFFFF;
	(pc) =	sbr.abs _section_cstart, $3  }
0xd5: {  	[dreg:$0x1] =	wrdreg $0xFFFFFFFF  }
0xd6: {  	_ =	task.clear_ibuf [dreg:s22], $0x2FFFF;
	_ =	strace $0x9FFFFFFF  }
0xd7: {  	(tm) =	ssettm $0x7FFFFFFF  }
tec
execute0_lowered:
.L_overlay_start_1:
0x0: {  	(tag) =	ssettag $0x1  }
0x1: {  	s1 =	rddreg [dreg:$0x0]  }
0x2: {  	s4 =	rddreg [dreg:$0x1]  }
0x3: {  	s0 =	rddreg [dreg:$0x2];
	s5 =	srdreg.scid  }
0x4: {  	s3 =	simm.s32 $0x0;
	s2 =	stileid.u32;
	s9 =	simm.s32 $0x900  }
0x5: {  	s10 =	simm.s32 $0x1100;
	s11 =	simm.s32 $0x1900;
	s12 =	simm.s32 $0x2100  }
0x6: {  	s13 =	simm.s32 $0x2900;
	s14 =	simm.s32 $0x3100;
	s15 =	simm.s32 $0x3900  }
0x7: {  	s16 =	simm.s32 $0x4100;
	s17 =	simm.s32 $0x4900;
	s18 =	simm.s32 $0x5100  }
0x8: {  	s19 =	simm.s32 $0x5900;
	s20 =	simm.s32 $0x6100;
	s21 =	simm.s32 $0x6900  }
0x9: {  	s22 =	simm.s32 $0x7100;
	s23 =	simm.s32 $0x7900;
	s5 =	sand.u32 $0x1, s5  }
0xa: {  	[smem:$0x7FF] =	sst s3;
	s6 =	sshll.u32 s2, $0x9;
	s7 =	sshll.u32 s5, $0x8  }
0xb: {  	s24 =	simm.s32 $0x0;
	_ =	strace $0x8000004A;
	s6 =	sor.u32 s7, s6  }
0xc: {  	s5 =	ssub.s32 $0x2, s5;
	s7 =	sshrl.u32 s6, $0x3;
	s6 =	sshll.u32 s6, $0x5  }
0xd: {  	v2 =	vlaneseq.u32;
	s8 =	sshrl.u32 s5, $0x1;
	s7 =	sadd.s32 s7, s4;
	s6 =	sadd.s32 s6, s4  }
0xe: {  	vm0 =	vmmov $0xffff;
	v1 =	vshrl.u32 v2, $0x3;
	s8 =	ssub.s32 s5, s8;
	s4 =	sadd.s32 $0x40C00, s7;
	s5 =	sadd.s32 $0x41000, s6  }
0xf: {  	v0 =	vand.u32 $0x7, v2;
	v2 =	vor.u32 $0x8, v2;
	v1 =	vmul.u32 $0x8, v1;
	s6 =	smax.u32 s8, $0x1;
	s7 =	simm.s32 $0x2;
	s8 =	simm.s32 $0x100  }
.LBB2_1:
0x10: {  	[tilespmem:s3], [sflag:$0x2] =	stream.linear.gather [hbm4b:s4+s3], $0x100, $0x38;
	[tilespmem:$0x8100] =	vst v63  }
0x11: {  	_ =	swait.ge [sflag:s7], $0x100  }
0x12: {  	[sflag:s7] =	ssyncset.done $0x0  }
0x13: {  	p0 =	por $0x1, $0x1;
	s25 =	simm.s32 $0x0;
	[sflag:s7] =	ssyncadd.s32 $0xFFFFFF00  }
.LBB2_2:
0x14: {  	s26 =	sshll.u32 s25, $0x7  }
0x15: {  	s26 =	sand.u32 $0x3FFFFF80, s26  }
0x16: {  	v3 =	vld [tilespmem:s26+$0x0];
	_ =	sdelay $0x4  }
0x17: {  	v4 =	vshll.u32 v3, $0x1  }
0x18: {  	v3 =	vand.u32 $0x7, v3;
	v4 =	vand.u32 $0xFFFFFFF0, v4  }
0x19: {  	v3 =	vor.u32 v3, v4  }
0x1a: {  	v4 =	vperm.xlane v3, v0;
	_ =	sdelay $0x1  }
0x1b: {  	v3 =	vperm.xlane v3, v2;
	v4 =	vadd.s32 v1, v4;
	_ =	sdelay $0x1  }
0x1c: {  	v3 =	vadd.s32 v1, v3;
	_ =	sdelay $0x2  }
0x1d: {  	[tilespmem:s8], [sflag:$0x1] =	stream.indirect_vreg.gather [hbm4b:s1+s3], $0x80, v4, vm0, $0xb8;
	[tilespmem:$0x8100] =	vst v63  }
0x1e: {  	_ = 	snop  }
0x1f: {  	[tilespmem:s9], [sflag:$0x1] =	stream.indirect_vreg.gather [hbm4b:s1+s3], $0x80, v3, vm0, $0xb8;
	[tilespmem:$0x8100] =	vst v63  }
0x20: {  	v3 =	vld [tilespmem:s26+$0x10];
	_ =	sdelay $0x4  }
0x21: {  	v57 =	vshll.u32 v3, $0x1  }
0x22: {  	v3 =	vand.u32 $0x7, v3;
	v4 =	vand.u32 $0xFFFFFFF0, v57  }
0x23: {  	v3 =	vor.u32 v3, v4  }
0x24: {  	v4 =	vperm.xlane v3, v0;
	_ =	sdelay $0x1  }
0x25: {  	v3 =	vperm.xlane v3, v2;
	v4 =	vadd.s32 v1, v4;
	_ =	sdelay $0x1  }
0x26: {  	v3 =	vadd.s32 v1, v3;
	_ =	sdelay $0x2  }
0x27: {  	[tilespmem:s10], [sflag:$0x1] =	stream.indirect_vreg.gather [hbm4b:s1+s3], $0x80, v4, vm0, $0xb8;
	[tilespmem:$0x8100] =	vst v63  }
0x28: {  	_ = 	snop  }
0x29: {  	[tilespmem:s11], [sflag:$0x1] =	stream.indirect_vreg.gather [hbm4b:s1+s3], $0x80, v3, vm0, $0xb8;
	[tilespmem:$0x8100] =	vst v63  }
0x2a: {  	v3 =	vld [tilespmem:s26+$0x20];
	_ =	sdelay $0x4  }
0x2b: {  	v58 =	vshll.u32 v3, $0x1  }
0x2c: {  	v3 =	vand.u32 $0x7, v3;
	v4 =	vand.u32 $0xFFFFFFF0, v58  }
0x2d: {  	v3 =	vor.u32 v3, v4  }
0x2e: {  	v4 =	vperm.xlane v3, v0;
	_ =	sdelay $0x1  }
0x2f: {  	v3 =	vperm.xlane v3, v2;
	v4 =	vadd.s32 v1, v4;
	_ =	sdelay $0x1  }
0x30: {  	v3 =	vadd.s32 v1, v3;
	_ =	sdelay $0x2  }
0x31: {  	[tilespmem:s12], [sflag:$0x1] =	stream.indirect_vreg.gather [hbm4b:s1+s3], $0x80, v4, vm0, $0xb8;
	[tilespmem:$0x8100] =	vst v63  }
0x32: {  	_ = 	snop  }
0x33: {  	[tilespmem:s13], [sflag:$0x1] =	stream.indirect_vreg.gather [hbm4b:s1+s3], $0x80, v3, vm0, $0xb8;
	[tilespmem:$0x8100] =	vst v63  }
0x34: {  	v3 =	vld [tilespmem:s26+$0x30];
	_ =	sdelay $0x4  }
0x35: {  	v59 =	vshll.u32 v3, $0x1  }
0x36: {  	v3 =	vand.u32 $0x7, v3;
	v4 =	vand.u32 $0xFFFFFFF0, v59  }
0x37: {  	v3 =	vor.u32 v3, v4  }
0x38: {  	v4 =	vperm.xlane v3, v0;
	_ =	sdelay $0x1  }
0x39: {  	v3 =	vperm.xlane v3, v2;
	v4 =	vadd.s32 v1, v4;
	_ =	sdelay $0x1  }
0x3a: {  	v3 =	vadd.s32 v1, v3;
	_ =	sdelay $0x2  }
0x3b: {  	[tilespmem:s14], [sflag:$0x1] =	stream.indirect_vreg.gather [hbm4b:s1+s3], $0x80, v4, vm0, $0xb8;
	[tilespmem:$0x8100] =	vst v63  }
0x3c: {  	_ = 	snop  }
0x3d: {  	[tilespmem:s15], [sflag:$0x1] =	stream.indirect_vreg.gather [hbm4b:s1+s3], $0x80, v3, vm0, $0xb8;
	[tilespmem:$0x8100] =	vst v63  }
0x3e: {  	v3 =	vld [tilespmem:s26+$0x40];
	_ =	sdelay $0x4  }
0x3f: {  	v60 =	vshll.u32 v3, $0x1  }
0x40: {  	v3 =	vand.u32 $0x7, v3;
	v4 =	vand.u32 $0xFFFFFFF0, v60  }
0x41: {  	v3 =	vor.u32 v3, v4  }
0x42: {  	v4 =	vperm.xlane v3, v0;
	_ =	sdelay $0x1  }
0x43: {  	v3 =	vperm.xlane v3, v2;
	v4 =	vadd.s32 v1, v4;
	_ =	sdelay $0x1  }
0x44: {  	v3 =	vadd.s32 v1, v3;
	_ =	sdelay $0x2  }
0x45: {  	[tilespmem:s16], [sflag:$0x1] =	stream.indirect_vreg.gather [hbm4b:s1+s3], $0x80, v4, vm0, $0xb8;
	[tilespmem:$0x8100] =	vst v63  }
0x46: {  	_ = 	snop  }
0x47: {  	[tilespmem:s17], [sflag:$0x1] =	stream.indirect_vreg.gather [hbm4b:s1+s3], $0x80, v3, vm0, $0xb8;
	[tilespmem:$0x8100] =	vst v63  }
0x48: {  	v3 =	vld [tilespmem:s26+$0x50];
	_ =	sdelay $0x4  }
0x49: {  	v61 =	vshll.u32 v3, $0x1  }
0x4a: {  	v3 =	vand.u32 $0x7, v3;
	v4 =	vand.u32 $0xFFFFFFF0, v61  }
0x4b: {  	v3 =	vor.u32 v3, v4  }
0x4c: {  	v4 =	vperm.xlane v3, v0;
	_ =	sdelay $0x1  }
0x4d: {  	v3 =	vperm.xlane v3, v2;
	v4 =	vadd.s32 v1, v4;
	_ =	sdelay $0x1  }
0x4e: {  	v3 =	vadd.s32 v1, v3;
	_ =	sdelay $0x2  }
0x4f: {  	[tilespmem:s18], [sflag:$0x1] =	stream.indirect_vreg.gather [hbm4b:s1+s3], $0x80, v4, vm0, $0xb8;
	[tilespmem:$0x8100] =	vst v63  }
0x50: {  	_ = 	snop  }
0x51: {  	[tilespmem:s19], [sflag:$0x1] =	stream.indirect_vreg.gather [hbm4b:s1+s3], $0x80, v3, vm0, $0xb8;
	[tilespmem:$0x8100] =	vst v63  }
0x52: {  	v3 =	vld [tilespmem:s26+$0x60];
	_ =	sdelay $0x4  }
0x53: {  	v62 =	vshll.u32 v3, $0x1  }
0x54: {  	v3 =	vand.u32 $0x7, v3;
	v4 =	vand.u32 $0xFFFFFFF0, v62  }
0x55: {  	v3 =	vor.u32 v3, v4  }
0x56: {  	v4 =	vperm.xlane v3, v0;
	_ =	sdelay $0x1  }
0x57: {  	v3 =	vperm.xlane v3, v2;
	v4 =	vadd.s32 v1, v4;
	_ =	sdelay $0x1  }
0x58: {  	v3 =	vadd.s32 v1, v3;
	_ =	sdelay $0x2  }
0x59: {  	[tilespmem:s20], [sflag:$0x1] =	stream.indirect_vreg.gather [hbm4b:s1+s3], $0x80, v4, vm0, $0xb8;
	[tilespmem:$0x8100] =	vst v63  }
0x5a: {  	_ = 	snop  }
0x5b: {  	[tilespmem:s21], [sflag:$0x1] =	stream.indirect_vreg.gather [hbm4b:s1+s3], $0x80, v3, vm0, $0xb8;
	[tilespmem:$0x8100] =	vst v63  }
0x5c: {  	v3 =	vld [tilespmem:s26+$0x70];
	_ =	sdelay $0x4  }
0x5d: {  	v63 =	vshll.u32 v3, $0x1  }
0x5e: {  	v3 =	vand.u32 $0x7, v3;
	v4 =	vand.u32 $0xFFFFFFF0, v63  }
0x5f: {  	v3 =	vor.u32 v3, v4  }
0x60: {  	v4 =	vperm.xlane v3, v0;
	_ =	sdelay $0x1  }
0x61: {  	v3 =	vperm.xlane v3, v2;
	v4 =	vadd.s32 v1, v4;
	_ =	sdelay $0x1  }
0x62: {  	v3 =	vadd.s32 v1, v3;
	_ =	sdelay $0x2  }
0x63: {  	[tilespmem:s22], [sflag:$0x1] =	stream.indirect_vreg.gather [hbm4b:s1+s3], $0x80, v4, vm0, $0xb8;
	[tilespmem:$0x8100] =	vst v63  }
0x64: {  	s30 =	simm.s32 $0x1  }
0x65: {  	[tilespmem:s23], [sflag:$0x1] =	stream.indirect_vreg.gather [hbm4b:s1+s3], $0x80, v3, vm0, $0xb8;
	[tilespmem:$0x8100] =	vst v63  }
0x66: {  	_ =	swait.ge [sflag:s30], $0x8000  }
0x67: {  	s31 =	sshll.u32 s25, $0xC;
	p1 =	por p0, p0;
	[sflag:s30] =	ssyncset.done $0x0  }
.Ltmp0:
0x68: {  	s25 =	sadd.s32 s31, s5;
	[sflag:s30] =	ssyncadd.s32 $0xFFFF8000;
	(pc) =	sbr.rel @p1 .LBB2_2-.Ltmp0, $4  }
0x69: {  	[hbm4b:s25+s3] =	stream.linear.scatter [tilespmem:s8], [sflag:$0x2], $0x8000, $0x38;
	[tilespmem:$0x8100] =	vst v63  }
0x6a: {  	_ =	swait.ge [sflag:s7], $0x8000  }
0x6b: {  	[sflag:s7] =	ssyncset.done $0x0  }
0x6c: {  	p0 =	por $0x0, $0x0;
	s25 =	simm.s32 $0x1;
	[sflag:s7] =	ssyncadd.s32 $0xFFFF8000  }
0x6d: {  	s24 =	sadd.s32 $0x1, s24  }
0x6e: {  	p0 =	sne.s32 s24, s6  }
.Ltmp1:
0x6f: {  	_ = 	snop;
	(pc) =	sbr.rel @p0 .LBB2_1-.Ltmp1, $1  }
0x70: {  	_ =	sdelay $0x3  }
0x71: {  	_ =	sfence.sel $0x180000  }
0x72: {  	[bflag:$0x0] =	sbarrier.arrive $0xFFFF  }
0x73: {  	p0 =	sne.s32 s2, $0x0;
	_ =	strace $0x9000004A  }
0x74: {  	s0 =	sadd.s32 @!p0 $0x100000, s0;
	[bflag:$0x2] =	sbarrier.arrive $0xFFFF  }
0x75: {  	[sflag:s0] =	ssyncadd.tile.s32 @!p0 $0x1;
	_ =	shalt  }
.Lfunc_end2:
_tile_overlayer_lowered:
.L_overlay_start_2:
0x76: {  	(tag) =	ssettag $0x2  }
0x77: {  	s0 =	rddreg [dreg:$0x0];
	s2 =	stileid.u32  }
0x78: {  	s1 =	rddreg [dreg:$0x1];
	p0 =	sne.s32 s2, $0x0  }
0x79: {  	s3 =	rddreg [dreg:$0x2];
	[bflag:$0x3] =	sbarrier.arrive $0xFFFF;
	s2 =	simm.s32 @!p0 $0x1C02  }
0x7a: {  	[timem:s3], [sflag:s2] =	dma.local @!p0 [hbm:s0], s1  }
0x7b: {  	s0 =	simm.s32 @!p0 $0x2  }
0x7c: {  	_ =	swait.ge @!p0 [sflag:s0], s1  }
0x7d: {  	s1 =	ssub.s32 @!p0 $0x0, s1;
	[sflag:s0] =	ssyncset.done @!p0 $0x0  }
0x7e: {  	[sflag:s0] =	ssyncadd.s32 @!p0 s1  }
0x7f: {  	[bflag:$0x3] =	sbarrier.arrive $0xFFFF  }
0x80: {  	_ =	shalt  }

// kernel: kernel.9.cloned.1.call-start
scs
__scs_entry_jumppad:
0x0: {  	(pc) =	sbr.rel $0x88, $3  }
0x1: {  	(tag) =	ssettag $0x0;
	lr =	simm.s32 $0x1  }
0x2: {  	[smem:$0x3F9F] =	sst lr;
	_ =	strace $0xD0000000  }
0x3: {  	_ = 	snop  }
0x4: {  	_ = 	snop  }
0x5: {  	_ = 	snop  }
0x6: {  	_ = 	snop  }
0x7: {  	_ = 	snop  }
__scs_overlays_trampoline_lowered:
0x8: {  	[smem:$0x3FAE] =	sst s0  }
0x9: {  	[smem:$0x3FAF] =	sst s1  }
0xa: {  	[smem:$0x3FB0] =	sst s2  }
0xb: {  	[smem:$0x3FB1] =	sst s3  }
0xc: {  	[smem:$0x3FB2] =	sst s4  }
0xd: {  	[smem:$0x3FB3] =	sst s5  }
0xe: {  	[smem:$0x3FB4] =	sst s6  }
0xf: {  	[smem:$0x3FB5] =	sst s7  }
0x10: {  	[smem:$0x3FB6] =	sst s8  }
0x11: {  	[smem:$0x3FB7] =	sst s9;
	s0 =	simm.s32 @!p0 $0x0  }
0x12: {  	s1 =	sld [smem:$0x3F9D];
	s0 =	simm.s32 @p0 $0x1  }
0x13: {  	[smem:$0x3FB8] =	sst s0;
	s0 =	simm.s32 @!p1 $0x0  }
0x14: {  	s2 =	sld [smem:$0x3F9C];
	s0 =	simm.s32 @p1 $0x1  }
0x15: {  	[smem:$0x3FB9] =	sst s0;
	s0 =	simm.s32 @!p2 $0x0  }
0x16: {  	s3 =	sld [smem:$0x3FDB];
	s0 =	simm.s32 @p2 $0x1  }
0x17: {  	s4 =	simm.s32 $0x1BF5;
	[smem:$0x3FBB] =	sst s0  }
0x18: {  	s0 =	sld [smem:$0x3F9E];
	_ =	swait.ge [sflag:s4], $0x0  }
0x19: {  	s7 =	sld [smem:$0x3F9F]  }
0x1a: {  	s8 =	sadd.s32 $0xFFFFE003, lr  }
0x1b: {  	s9 =	sadd.s32 $0xFFFFFEF7, lr;
	s5 =	simm.s32 $0xFFFFFFFF;
	p2 =	slt.u32 s8, $0xFFFFF086  }
0x1c: {  	p1 =	slt.u32 s9, $0xF7A;
	s5 =	simm.s32 @!p2 $0x0  }
0x1d: {  	s5 =	simm.s32 @p1 $0x1;
	p0 =	seq.s32 s7, s2  }
0x1e: {  	s7 =	smul.u32 @!p0 $0xF7A, s2;
	p2 =	seq.s32 @!p0 s5, $0x0  }
0x1f: {  	s9 =	smul.u32 $0xF7A, s1;
	s8 =	simm.s32 @!p0 $0x1BF5;
	p2 =	por !p2, p0  }
0x20: {  	[sflag:s8] =	ssyncset.s32 @!p0 $0xFFFFF086;
	s6 =	sadd.s32 @!p0 s3, s7;
	s7 =	simm.s32 @!p0 $0x108  }
0x21: {  	s3 =	sadd.s32 s3, s9;
	s6 =	sadd.s32 @!p0 $0x88, s6;
	s7 =	simm.s32 @p2 $0x1082  }
0x22: {  	[simem:s7], [sflag:s8] =	dma.local @!p0 [hbm:s6], $0xF7A  }
0x23: {  	s9 =	sor.u32 $0xD0000000, s2;
	s6 =	simm.s32 $0x108;
	_ =	swait.ge @!p0 [sflag:s8], $0x0  }
0x24: {  	s3 =	sadd.s32 $0x88, s3;
	s6 =	simm.s32 @!p1 $0x1082;
	[sflag:s4] =	ssyncset.s32 $0xFFFFF086  }
0x25: {  	[simem:s6], [sflag:s4] =	dma.local [hbm:s3], $0xF7A  }
0x26: {  	[smem:$0x3F9F] =	sst s1;
	(tag) =	ssettag s2;
	_ =	strace s9  }
0x27: {  	s1 =	sld [smem:$0x3FAF]  }
0x28: {  	s2 =	sld [smem:$0x3FB0]  }
0x29: {  	s4 =	sld [smem:$0x3FB2]  }
0x2a: {  	p0 =	seq.s32 s5, $0x0;
	s5 =	sld [smem:$0x3FB3]  }
0x2b: {  	s6 =	sld [smem:$0x3FB4]  }
0x2c: {  	s7 =	sld [smem:$0x3FB5]  }
0x2d: {  	s3 =	simm.s32 $0x108;
	s8 =	sld [smem:$0x3FB6]  }
0x2e: {  	s3 =	simm.s32 @!p0 $0x1082;
	s9 =	sld [smem:$0x3FB7]  }
0x2f: {  	lr =	sadd.s32 s0, s3;
	s0 =	sld [smem:$0x3FAE]  }
0x30: {  	s3 =	sld [smem:$0x3FB1]  }
0x31: {  	[smem:$0x3FBA] =	sst s10  }
0x32: {  	s10 =	sld [smem:$0x3FB8];
	_ =	sdelay $0x3  }
0x33: {  	p0 =	seq.s32 s10, $0x1;
	s10 =	sld [smem:$0x3FBA];
	_ =	sdelay $0x3  }
0x34: {  	[smem:$0x3FBA] =	sst s10  }
0x35: {  	s10 =	sld [smem:$0x3FB9];
	_ =	sdelay $0x3  }
0x36: {  	p1 =	seq.s32 s10, $0x1;
	s10 =	sld [smem:$0x3FBA];
	_ =	sdelay $0x3  }
0x37: {  	[smem:$0x3FBA] =	sst s10  }
0x38: {  	s10 =	sld [smem:$0x3FBB]  }
0x39: {  	_ = 	snop;
	(pc) =	sbr.ind lr, $3  }
0x3a: {  	_ = 	snop  }
0x3b: {  	_ = 	snop  }
0x3c: {  	p2 =	seq.s32 s10, $0x1;
	s10 =	sld [smem:$0x3FBA]  }
0x3d: {  	_ =	shalt  }
0x3e: {  	_ =	shalt  }
0x3f: {  	_ =	shalt  }
0x40: {  	_ =	shalt  }
0x41: {  	_ =	shalt  }
0x42: {  	_ =	shalt  }
0x43: {  	_ =	shalt  }
0x44: {  	_ =	shalt  }
0x45: {  	_ =	shalt  }
0x46: {  	_ =	shalt  }
0x47: {  	_ =	shalt  }
0x48: {  	_ =	shalt  }
0x49: {  	_ =	shalt  }
0x4a: {  	_ =	shalt  }
0x4b: {  	_ =	shalt  }
0x4c: {  	_ =	shalt  }
0x4d: {  	_ =	shalt  }
0x4e: {  	_ =	shalt  }
0x4f: {  	_ =	shalt  }
0x50: {  	_ =	shalt  }
0x51: {  	_ =	shalt  }
0x52: {  	_ =	shalt  }
0x53: {  	_ =	shalt  }
0x54: {  	_ =	shalt  }
0x55: {  	_ =	shalt  }
0x56: {  	_ =	shalt  }
0x57: {  	_ =	shalt  }
0x58: {  	_ =	shalt  }
0x59: {  	_ =	shalt  }
0x5a: {  	_ =	shalt  }
0x5b: {  	_ =	shalt  }
0x5c: {  	_ =	shalt  }
0x5d: {  	_ =	shalt  }
0x5e: {  	_ =	shalt  }
0x5f: {  	_ =	shalt  }
0x60: {  	_ =	shalt  }
0x61: {  	_ =	shalt  }
0x62: {  	_ =	shalt  }
0x63: {  	_ =	shalt  }
0x64: {  	_ =	shalt  }
0x65: {  	_ =	shalt  }
0x66: {  	_ =	shalt  }
0x67: {  	_ =	shalt  }
0x68: {  	_ =	shalt  }
0x69: {  	_ =	shalt  }
0x6a: {  	_ =	shalt  }
0x6b: {  	_ =	shalt  }
0x6c: {  	_ =	shalt  }
0x6d: {  	_ =	shalt  }
0x6e: {  	_ =	shalt  }
0x6f: {  	_ =	shalt  }
0x70: {  	_ =	shalt  }
0x71: {  	_ =	shalt  }
0x72: {  	_ =	shalt  }
0x73: {  	_ =	shalt  }
0x74: {  	_ =	shalt  }
0x75: {  	_ =	shalt  }
0x76: {  	_ =	shalt  }
0x77: {  	_ =	shalt  }
0x78: {  	_ =	shalt  }
0x79: {  	_ =	shalt  }
0x7a: {  	_ =	shalt  }
0x7b: {  	_ =	shalt  }
0x7c: {  	_ =	shalt  }
0x7d: {  	_ =	shalt  }
0x7e: {  	_ =	shalt  }
0x7f: {  	_ =	shalt  }
0x80: {  	_ =	shalt  }
0x81: {  	_ =	shalt  }
0x82: {  	_ =	shalt  }
0x83: {  	_ =	shalt  }
0x84: {  	_ =	shalt  }
0x85: {  	_ =	shalt  }
0x86: {  	_ =	shalt  }
0x87: {  	_ =	shalt  }
.Lfunc_end0:
.L_simem_size_0:
called_computation.1_lowered:
.L_overlay_start_0:
0x88: {  	s2 =	sld [smem:$0x3FD9]  }
0x89: {  	s3 =	sld [smem:$0x3FFE];
	_ =	sdelay $0x1  }
0x8a: {  	s1 =	srdreg.scid  }
0x8b: {  	s0 =	sand.u32 $0x1, s1  }
0x8c: {  	s14 =	sshll.u32 s0, $0xA;
	s2 =	sadd.s32 s3, s2  }
0x8d: {  	s2 =	sadd.s32 s2, s14  }
0x8e: {  	[smem:$0x3FC6] =	sst s2  }
0x8f: {  	_ = 	snop  }
0x90: {  	s2 =	sld [smem:$0x3FD0];
	_ =	sdelay $0x2  }
0x91: {  	s15 =	simm.s32 $0xB;
	s4 =	simm.s32 $0x10  }
0x92: {  	[smem:s4], [sflag:s15] =	dma.local [hbm:s2], $0x1  }
0x93: {  	_ =	swait.eq [sflag:s15], $0x1  }
0x94: {  	[sflag:s15] =	ssyncset.done $0x0  }
0x95: {  	[sflag:s15] =	ssyncadd.s32 $0xFFFFFFFF  }
0x96: {  	s16 =	sld [smem:$0x10];
	(tm) =	ssettm $0x1  }
0x97: {  	s17 =	sld [smem:$0x3FFB];
	_ =	sdelay $0x3  }
0x98: {  	_ =	strace s17  }
0x99: {  	s3 =	sld [smem:$0x3FFC];
	_ =	sdelay $0x3  }
0x9a: {  	_ =	strace s3  }
0x9b: {  	s3 =	sld [smem:$0x3FFD];
	_ =	sdelay $0x3  }
0x9c: {  	_ =	strace s3  }
0x9d: {  	_ =	strace $0x8FFFFFFF  }
0x9e: {  	s18 =	sld [smem:$0x3FDB];
	_ =	sdelay $0x1  }
0x9f: {  	s19 =	simm.s32 $_scs_section_size  }
0xa0: {  	s5 =	simm.s32 $_size__tile_overlayer_lowered;
	s6 =	simm.s32 $_tile_overlayer_lowered  }
0xa1: {  	s22 =	simm.s32 $0x1BFF;
	s21 =	sshll.u32 s6, $0x1;
	s3 =	sadd.s32 s19, s18  }
0xa2: {  	s7 =	simm.s32 $0x0;
	s20 =	sshll.u32 s5, $0x1;
	s5 =	sadd.s32 s21, s3  }
0xa3: {  	[timem:s7], [sflag:s22] =	dma.local [hbm:s5], s20  }
0xa4: {  	_ =	swait.ge [sflag:s22], s20  }
0xa5: {  	s4 =	ssub.s32 $0x0, s20;
	[sflag:s22] =	ssyncset.done $0x0  }
0xa6: {  	[sflag:s22] =	ssyncadd.s32 s4;
	_ =	sdelay $0x1  }
0xa7: {  	s23 =	simm.s32 $0x1B8B  }
0xa8: {  	_ =	swait.ge [sflag:s23], $0x1  }
0xa9: {  	[sflag:s23] =	ssyncset.done $0x0  }
0xaa: {  	s25 =	simm.s32 $0x1B8E;
	s24 =	sld [smem:$0x3FFE];
	[sflag:s23] =	ssyncadd.s32 $0xFFFFFFFF  }
0xab: {  	s26 =	simm.s32 $execute0_lowered;
	[smem:$0x3FD2] =	sst s25  }
0xac: {  	s5 =	sshll.u32 s26, $0x1;
	_ =	strace $0x80000046;
	[dreg:$0x1] =	wrdreg $0xFFFFFFFF  }
0xad: {  	s28 =	simm.s32 $_size_execute0_lowered;
	s3 =	sadd.s32 s3, s5;
	[dreg:$0x0] =	wrdreg $0x0  }
0xae: {  	s5 =	sshll.u32 s28, $0x1;
	[dreg:$0x2] =	wrdreg s3  }
0xaf: {  	[dreg:$0x3] =	wrdreg s5  }
0xb0: {  	[dreg:$0x4] =	wrdreg $0xC0  }
0xb1: {  	_ =	task [dreg:s7], $0x5FFFF  }
0xb2: {  	[dreg:$0x1] =	wrdreg $0xFFFFFFFF  }
0xb3: {  	[dreg:$0x0] =	wrdreg $0x60  }
0xb4: {  	[dreg:$0x2] =	wrdreg s16  }
0xb5: {  	[dreg:$0x3] =	wrdreg s24  }
0xb6: {  	[dreg:$0x4] =	wrdreg $0xA  }
0xb7: {  	_ =	task.clear_ibuf [dreg:s7], $0x5FFFF;
	_ =	strace $0x90000046  }
0xb8: {  	s29 =	simm.s32 $0xA;
	_ =	strace $0x80000048  }
0xb9: {  	_ =	swait.ge [sflag:s29], $0x1  }
0xba: {  	[sflag:s29] =	ssyncadd.s32 $0xFFFFFFFF  }
0xbb: {  	_ =	strace $0x90000048  }
0xbc: {  	_ =	sfence  }
0xbd: {  	s30 =	sld [smem:$0x0];
	_ =	sdelay $0x2  }
0xbe: {  	s31 =	sshll.u32 s1, $0xD;
	s1 =	sshrl.u32 s1, $0x2  }
0xbf: {  	s3 =	sand.u32 $0x4000, s31;
	s1 =	sadd.s32 s1, s30  }
0xc0: {  	s0 =	sor.u32 s3, s0;
	s1 =	sshll.u32 s1, $0x11  }
0xc1: {  	s0 =	sor.u32 s1, s0  }
0xc2: {  	s0 =	sadd.s32 $0x8F2B, s0  }
0xc3: {  	[sflag:s0] =	ssyncadd.remote.s32 $0x1  }
0xc4: {  	_ =	sfence.sel $0xFFFF  }
0xc5: {  	[dreg:$0x0] =	wrdreg $0xFFFFFFFF;
	(pc) =	sbr.abs _section_cstart, $3  }
0xc6: {  	[dreg:$0x1] =	wrdreg $0xFFFFFFFF  }
0xc7: {  	_ =	task.clear_ibuf [dreg:s7], $0x2FFFF;
	_ =	strace $0x9FFFFFFF  }
0xc8: {  	(tm) =	ssettm $0x7FFFFFFF  }
0xc9: {  	_ =	shalt  }
tec
execute0_lowered:
.L_overlay_start_1:
0x0: {  	(tag) =	ssettag $0x1  }
0x1: {  	s1 =	rddreg [dreg:$0x0]  }
0x2: {  	s4 =	rddreg [dreg:$0x1]  }
0x3: {  	s0 =	rddreg [dreg:$0x2];
	s5 =	srdreg.scid  }
0x4: {  	s3 =	simm.s32 $0x0;
	s2 =	stileid.u32;
	s9 =	simm.s32 $0x900  }
0x5: {  	s10 =	simm.s32 $0x1100;
	s11 =	simm.s32 $0x1900;
	s12 =	simm.s32 $0x2100  }
0x6: {  	s13 =	simm.s32 $0x2900;
	s14 =	simm.s32 $0x3100;
	s15 =	simm.s32 $0x3900  }
0x7: {  	s16 =	simm.s32 $0x4100;
	s17 =	simm.s32 $0x4900;
	s18 =	simm.s32 $0x5100  }
0x8: {  	s19 =	simm.s32 $0x5900;
	s20 =	simm.s32 $0x6100;
	s21 =	simm.s32 $0x6900  }
0x9: {  	s22 =	simm.s32 $0x7100;
	s23 =	simm.s32 $0x7900;
	s5 =	sand.u32 $0x1, s5  }
0xa: {  	[smem:$0x7FF] =	sst s3;
	s6 =	sshll.u32 s2, $0x9;
	s7 =	sshll.u32 s5, $0x8  }
0xb: {  	s24 =	simm.s32 $0x0;
	_ =	strace $0x80000047;
	s6 =	sor.u32 s7, s6  }
0xc: {  	s5 =	ssub.s32 $0x2, s5;
	s7 =	sshrl.u32 s6, $0x3;
	s6 =	sshll.u32 s6, $0x5  }
0xd: {  	v2 =	vlaneseq.u32;
	s8 =	sshrl.u32 s5, $0x1;
	s7 =	sadd.s32 s7, s4;
	s6 =	sadd.s32 s6, s4  }
0xe: {  	vm0 =	vmmov $0xffff;
	v1 =	vshrl.u32 v2, $0x3;
	s8 =	ssub.s32 s5, s8;
	s4 =	sadd.s32 $0x800, s7;
	s5 =	sadd.s32 $0xC00, s6  }
0xf: {  	v0 =	vand.u32 $0x7, v2;
	v2 =	vor.u32 $0x8, v2;
	v1 =	vmul.u32 $0x8, v1;
	s6 =	smax.u32 s8, $0x1;
	s7 =	simm.s32 $0x2;
	s8 =	simm.s32 $0x100  }
.LBB2_1:
0x10: {  	[tilespmem:s3], [sflag:$0x2] =	stream.linear.gather [hbm4b:s4+s3], $0x100, $0x38;
	[tilespmem:$0x8100] =	vst v63  }
0x11: {  	_ =	swait.ge [sflag:s7], $0x100  }
0x12: {  	[sflag:s7] =	ssyncset.done $0x0  }
0x13: {  	p0 =	por $0x1, $0x1;
	s25 =	simm.s32 $0x0;
	[sflag:s7] =	ssyncadd.s32 $0xFFFFFF00  }
.LBB2_2:
0x14: {  	s26 =	sshll.u32 s25, $0x7  }
0x15: {  	s26 =	sand.u32 $0x3FFFFF80, s26  }
0x16: {  	v3 =	vld [tilespmem:s26+$0x0];
	_ =	sdelay $0x4  }
0x17: {  	v4 =	vshll.u32 v3, $0x1  }
0x18: {  	v3 =	vand.u32 $0x7, v3;
	v4 =	vand.u32 $0xFFFFFFF0, v4  }
0x19: {  	v3 =	vor.u32 v3, v4  }
0x1a: {  	v4 =	vperm.xlane v3, v0;
	_ =	sdelay $0x1  }
0x1b: {  	v3 =	vperm.xlane v3, v2;
	v4 =	vadd.s32 v1, v4;
	_ =	sdelay $0x1  }
0x1c: {  	v3 =	vadd.s32 v1, v3;
	_ =	sdelay $0x2  }
0x1d: {  	[tilespmem:s8], [sflag:$0x1] =	stream.indirect_vreg.gather [hbm4b:s1+s3], $0x80, v4, vm0, $0xb8;
	[tilespmem:$0x8100] =	vst v63  }
0x1e: {  	_ = 	snop  }
0x1f: {  	[tilespmem:s9], [sflag:$0x1] =	stream.indirect_vreg.gather [hbm4b:s1+s3], $0x80, v3, vm0, $0xb8;
	[tilespmem:$0x8100] =	vst v63  }
0x20: {  	v3 =	vld [tilespmem:s26+$0x10];
	_ =	sdelay $0x4  }
0x21: {  	v57 =	vshll.u32 v3, $0x1  }
0x22: {  	v3 =	vand.u32 $0x7, v3;
	v4 =	vand.u32 $0xFFFFFFF0, v57  }
0x23: {  	v3 =	vor.u32 v3, v4  }
0x24: {  	v4 =	vperm.xlane v3, v0;
	_ =	sdelay $0x1  }
0x25: {  	v3 =	vperm.xlane v3, v2;
	v4 =	vadd.s32 v1, v4;
	_ =	sdelay $0x1  }
0x26: {  	v3 =	vadd.s32 v1, v3;
	_ =	sdelay $0x2  }
0x27: {  	[tilespmem:s10], [sflag:$0x1] =	stream.indirect_vreg.gather [hbm4b:s1+s3], $0x80, v4, vm0, $0xb8;
	[tilespmem:$0x8100] =	vst v63  }
0x28: {  	_ = 	snop  }
0x29: {  	[tilespmem:s11], [sflag:$0x1] =	stream.indirect_vreg.gather [hbm4b:s1+s3], $0x80, v3, vm0, $0xb8;
	[tilespmem:$0x8100] =	vst v63  }
0x2a: {  	v3 =	vld [tilespmem:s26+$0x20];
	_ =	sdelay $0x4  }
0x2b: {  	v58 =	vshll.u32 v3, $0x1  }
0x2c: {  	v3 =	vand.u32 $0x7, v3;
	v4 =	vand.u32 $0xFFFFFFF0, v58  }
0x2d: {  	v3 =	vor.u32 v3, v4  }
0x2e: {  	v4 =	vperm.xlane v3, v0;
	_ =	sdelay $0x1  }
0x2f: {  	v3 =	vperm.xlane v3, v2;
	v4 =	vadd.s32 v1, v4;
	_ =	sdelay $0x1  }
0x30: {  	v3 =	vadd.s32 v1, v3;
	_ =	sdelay $0x2  }
0x31: {  	[tilespmem:s12], [sflag:$0x1] =	stream.indirect_vreg.gather [hbm4b:s1+s3], $0x80, v4, vm0, $0xb8;
	[tilespmem:$0x8100] =	vst v63  }
0x32: {  	_ = 	snop  }
0x33: {  	[tilespmem:s13], [sflag:$0x1] =	stream.indirect_vreg.gather [hbm4b:s1+s3], $0x80, v3, vm0, $0xb8;
	[tilespmem:$0x8100] =	vst v63  }
0x34: {  	v3 =	vld [tilespmem:s26+$0x30];
	_ =	sdelay $0x4  }
0x35: {  	v59 =	vshll.u32 v3, $0x1  }
0x36: {  	v3 =	vand.u32 $0x7, v3;
	v4 =	vand.u32 $0xFFFFFFF0, v59  }
0x37: {  	v3 =	vor.u32 v3, v4  }
0x38: {  	v4 =	vperm.xlane v3, v0;
	_ =	sdelay $0x1  }
0x39: {  	v3 =	vperm.xlane v3, v2;
	v4 =	vadd.s32 v1, v4;
	_ =	sdelay $0x1  }
0x3a: {  	v3 =	vadd.s32 v1, v3;
	_ =	sdelay $0x2  }
0x3b: {  	[tilespmem:s14], [sflag:$0x1] =	stream.indirect_vreg.gather [hbm4b:s1+s3], $0x80, v4, vm0, $0xb8;
	[tilespmem:$0x8100] =	vst v63  }
0x3c: {  	_ = 	snop  }
0x3d: {  	[tilespmem:s15], [sflag:$0x1] =	stream.indirect_vreg.gather [hbm4b:s1+s3], $0x80, v3, vm0, $0xb8;
	[tilespmem:$0x8100] =	vst v63  }
0x3e: {  	v3 =	vld [tilespmem:s26+$0x40];
	_ =	sdelay $0x4  }
0x3f: {  	v60 =	vshll.u32 v3, $0x1  }
0x40: {  	v3 =	vand.u32 $0x7, v3;
	v4 =	vand.u32 $0xFFFFFFF0, v60  }
0x41: {  	v3 =	vor.u32 v3, v4  }
0x42: {  	v4 =	vperm.xlane v3, v0;
	_ =	sdelay $0x1  }
0x43: {  	v3 =	vperm.xlane v3, v2;
	v4 =	vadd.s32 v1, v4;
	_ =	sdelay $0x1  }
0x44: {  	v3 =	vadd.s32 v1, v3;
	_ =	sdelay $0x2  }
0x45: {  	[tilespmem:s16], [sflag:$0x1] =	stream.indirect_vreg.gather [hbm4b:s1+s3], $0x80, v4, vm0, $0xb8;
	[tilespmem:$0x8100] =	vst v63  }
0x46: {  	_ = 	snop  }
0x47: {  	[tilespmem:s17], [sflag:$0x1] =	stream.indirect_vreg.gather [hbm4b:s1+s3], $0x80, v3, vm0, $0xb8;
	[tilespmem:$0x8100] =	vst v63  }
0x48: {  	v3 =	vld [tilespmem:s26+$0x50];
	_ =	sdelay $0x4  }
0x49: {  	v61 =	vshll.u32 v3, $0x1  }
0x4a: {  	v3 =	vand.u32 $0x7, v3;
	v4 =	vand.u32 $0xFFFFFFF0, v61  }
0x4b: {  	v3 =	vor.u32 v3, v4  }
0x4c: {  	v4 =	vperm.xlane v3, v0;
	_ =	sdelay $0x1  }
0x4d: {  	v3 =	vperm.xlane v3, v2;
	v4 =	vadd.s32 v1, v4;
	_ =	sdelay $0x1  }
0x4e: {  	v3 =	vadd.s32 v1, v3;
	_ =	sdelay $0x2  }
0x4f: {  	[tilespmem:s18], [sflag:$0x1] =	stream.indirect_vreg.gather [hbm4b:s1+s3], $0x80, v4, vm0, $0xb8;
	[tilespmem:$0x8100] =	vst v63  }
0x50: {  	_ = 	snop  }
0x51: {  	[tilespmem:s19], [sflag:$0x1] =	stream.indirect_vreg.gather [hbm4b:s1+s3], $0x80, v3, vm0, $0xb8;
	[tilespmem:$0x8100] =	vst v63  }
0x52: {  	v3 =	vld [tilespmem:s26+$0x60];
	_ =	sdelay $0x4  }
0x53: {  	v62 =	vshll.u32 v3, $0x1  }
0x54: {  	v3 =	vand.u32 $0x7, v3;
	v4 =	vand.u32 $0xFFFFFFF0, v62  }
0x55: {  	v3 =	vor.u32 v3, v4  }
0x56: {  	v4 =	vperm.xlane v3, v0;
	_ =	sdelay $0x1  }
0x57: {  	v3 =	vperm.xlane v3, v2;
	v4 =	vadd.s32 v1, v4;
	_ =	sdelay $0x1  }
0x58: {  	v3 =	vadd.s32 v1, v3;
	_ =	sdelay $0x2  }
0x59: {  	[tilespmem:s20], [sflag:$0x1] =	stream.indirect_vreg.gather [hbm4b:s1+s3], $0x80, v4, vm0, $0xb8;
	[tilespmem:$0x8100] =	vst v63  }
0x5a: {  	_ = 	snop  }
0x5b: {  	[tilespmem:s21], [sflag:$0x1] =	stream.indirect_vreg.gather [hbm4b:s1+s3], $0x80, v3, vm0, $0xb8;
	[tilespmem:$0x8100] =	vst v63  }
0x5c: {  	v3 =	vld [tilespmem:s26+$0x70];
	_ =	sdelay $0x4  }
0x5d: {  	v63 =	vshll.u32 v3, $0x1  }
0x5e: {  	v3 =	vand.u32 $0x7, v3;
	v4 =	vand.u32 $0xFFFFFFF0, v63  }
0x5f: {  	v3 =	vor.u32 v3, v4  }
0x60: {  	v4 =	vperm.xlane v3, v0;
	_ =	sdelay $0x1  }
0x61: {  	v3 =	vperm.xlane v3, v2;
	v4 =	vadd.s32 v1, v4;
	_ =	sdelay $0x1  }
0x62: {  	v3 =	vadd.s32 v1, v3;
	_ =	sdelay $0x2  }
0x63: {  	[tilespmem:s22], [sflag:$0x1] =	stream.indirect_vreg.gather [hbm4b:s1+s3], $0x80, v4, vm0, $0xb8;
	[tilespmem:$0x8100] =	vst v63  }
0x64: {  	s30 =	simm.s32 $0x1  }
0x65: {  	[tilespmem:s23], [sflag:$0x1] =	stream.indirect_vreg.gather [hbm4b:s1+s3], $0x80, v3, vm0, $0xb8;
	[tilespmem:$0x8100] =	vst v63  }
0x66: {  	_ =	swait.ge [sflag:s30], $0x8000  }
0x67: {  	s31 =	sshll.u32 s25, $0xC;
	p1 =	por p0, p0;
	[sflag:s30] =	ssyncset.done $0x0  }
.Ltmp0:
0x68: {  	s25 =	sadd.s32 s31, s5;
	[sflag:s30] =	ssyncadd.s32 $0xFFFF8000;
	(pc) =	sbr.rel @p1 .LBB2_2-.Ltmp0, $4  }
0x69: {  	[hbm4b:s25+s3] =	stream.linear.scatter [tilespmem:s8], [sflag:$0x2], $0x8000, $0x38;
	[tilespmem:$0x8100] =	vst v63  }
0x6a: {  	_ =	swait.ge [sflag:s7], $0x8000  }
0x6b: {  	[sflag:s7] =	ssyncset.done $0x0  }
0x6c: {  	p0 =	por $0x0, $0x0;
	s25 =	simm.s32 $0x1;
	[sflag:s7] =	ssyncadd.s32 $0xFFFF8000  }
0x6d: {  	s24 =	sadd.s32 $0x1, s24  }
0x6e: {  	p0 =	sne.s32 s24, s6  }
.Ltmp1:
0x6f: {  	_ = 	snop;
	(pc) =	sbr.rel @p0 .LBB2_1-.Ltmp1, $1  }
0x70: {  	_ =	sdelay $0x3  }
0x71: {  	_ =	sfence.sel $0x180000  }
0x72: {  	[bflag:$0x0] =	sbarrier.arrive $0xFFFF  }
0x73: {  	p0 =	sne.s32 s2, $0x0;
	_ =	strace $0x90000047  }
0x74: {  	s0 =	sadd.s32 @!p0 $0x100000, s0;
	[bflag:$0x2] =	sbarrier.arrive $0xFFFF  }
0x75: {  	[sflag:s0] =	ssyncadd.tile.s32 @!p0 $0x1;
	_ =	shalt  }
.Lfunc_end2:
_tile_overlayer_lowered:
.L_overlay_start_2:
0x76: {  	(tag) =	ssettag $0x2  }
0x77: {  	s0 =	rddreg [dreg:$0x0];
	s2 =	stileid.u32  }
0x78: {  	s1 =	rddreg [dreg:$0x1];
	p0 =	sne.s32 s2, $0x0  }
0x79: {  	s3 =	rddreg [dreg:$0x2];
	[bflag:$0x3] =	sbarrier.arrive $0xFFFF;
	s2 =	simm.s32 @!p0 $0x1C02  }
0x7a: {  	[timem:s3], [sflag:s2] =	dma.local @!p0 [hbm:s0], s1  }
0x7b: {  	s0 =	simm.s32 @!p0 $0x2  }
0x7c: {  	_ =	swait.ge @!p0 [sflag:s0], s1  }
0x7d: {  	s1 =	ssub.s32 @!p0 $0x0, s1;
	[sflag:s0] =	ssyncset.done @!p0 $0x0  }
0x7e: {  	[sflag:s0] =	ssyncadd.s32 @!p0 s1  }
0x7f: {  	[bflag:$0x3] =	sbarrier.arrive $0xFFFF  }
0x80: {  	_ =	shalt  }

</sc_bundles>
